<compile_context>
chip_gen: v7x
topology: tpu7x:2x2x1
jax: 0.10.2.dev20260603
libtpu: 0.0.44.dev20260713+nightly
codegen_flags: <defaults>
</compile_context>

<pallas_src>
import functools

import jax
import jax.numpy as jnp
from jax import lax
from jax.experimental import pallas as pl
from jax.experimental.pallas import tpu as pltpu
from jax.experimental.pallas import tpu_sc as plsc

_FIELDS = 26
_BATCH = 16384
_FIELD_SIZE = 40000
_NC = 2
_NS = 16
_NW = _NC * _NS
_BPW = _BATCH // _NW
_EPW = _BPW * _FIELDS
_IDX_MINOR = 128
_IDX_ROWS = _EPW // _IDX_MINOR
_L = 16
_JCH = _BPW // _L


def _body(x_hbm, fc_hbm, bias_hbm, out_hbm, xv, idxv, gv, outv, biasv, sem):
    wid = lax.axis_index("s") * _NC + lax.axis_index("c")
    base = wid * _BPW
    ebase = wid * _EPW

    pltpu.sync_copy(x_hbm.at[pl.ds(ebase, _EPW)], xv)
    pltpu.sync_copy(bias_hbm, biasv)

    lane = lax.iota(jnp.int32, 16)

    def build(r, carry):
        f = r // 4
        blk = r % 4
        foff = f * _FIELD_SIZE
        for c in range(8):
            b16 = blk * _IDX_MINOR + c * _L + lane
            src = b16 * _FIELDS + f
            v = plsc.load_gather(xv, [src])
            idxv[r, pl.ds(c * _L, _L)] = v + foff
        return carry

    lax.fori_loop(0, _IDX_ROWS, build, 0, unroll=False)

    def fire(r, carry):
        pltpu.async_copy(fc_hbm.at[idxv.at[r]], gv.at[r], sem)
        return carry

    lax.fori_loop(0, _IDX_ROWS, fire, 0, unroll=False)

    def drain(r, carry):
        pltpu.make_async_copy(fc_hbm.at[idxv.at[r]], gv.at[r], sem).wait()
        return carry

    lax.fori_loop(0, _IDX_ROWS, drain, 0, unroll=False)

    bias_splat = biasv[pl.ds(0, _L)]

    def accum(j, carry):
        jdiv = j // 8
        jcol = (j % 8) * _L
        acc = bias_splat
        for f in range(_FIELDS):
            acc = acc + gv[f * 4 + jdiv, pl.ds(jcol, _L)]
        outv[pl.ds(j * _L, _L)] = acc
        return carry

    lax.fori_loop(0, _JCH, accum, 0, unroll=False)

    pltpu.sync_copy(outv, out_hbm.at[pl.ds(base, _BPW)])


@jax.jit
def kernel(x, fc, bias):
    xf = x.reshape(-1)
    fcf = fc.reshape(-1)
    bias16 = jnp.broadcast_to(bias.reshape(()), (_L,)).astype(jnp.float32)
    mesh = plsc.VectorSubcoreMesh(core_axis_name="c", subcore_axis_name="s")
    run = functools.partial(
        pl.kernel,
        mesh=mesh,
        compiler_params=pltpu.CompilerParams(needs_layout_passes=False),
        out_type=jax.ShapeDtypeStruct((_BATCH,), jnp.float32),
        scratch_types=[
            pltpu.VMEM((_EPW,), jnp.int32),
            pltpu.VMEM((_IDX_ROWS, _IDX_MINOR), jnp.int32),
            pltpu.VMEM((_IDX_ROWS, _IDX_MINOR), jnp.float32),
            pltpu.VMEM((_BPW,), jnp.float32),
            pltpu.VMEM((_L,), jnp.float32),
            pltpu.SemaphoreType.DMA,
        ],
    )(_body)
    out = run(xf, fcf, bias16)
    return out.reshape(_BATCH, 1)

# --- scband reference (transcript-rebuilt; emitter-appended) ---
"""Pipeline reference for scband-features-linear-60550448939122 (READ-ONLY COPY).

The authoritative reference and input builder live on the scoring server;
editing this copy changes nothing except your own understanding.
"""

import jax, jax.numpy as jnp
import numpy as np

FIELD_DIMS = [40000] * 26
OFFSETS = np.array((0, *np.cumsum(FIELD_DIMS)[:-1]), dtype=np.int32)
TOTAL = int(sum(FIELD_DIMS))
OUTPUT_DIM = 1
BATCH = 16384


def setup_inputs(seed: int = 0) -> dict:
    key = jax.random.key(seed)
    k1, k2 = jax.random.split(key)
    x = jax.random.randint(k1, (BATCH, len(FIELD_DIMS)), 0, 40000, dtype=jnp.int32)
    fc = jax.random.normal(k2, (TOTAL, OUTPUT_DIM), dtype=jnp.float32) * 0.01
    bias = jnp.zeros((OUTPUT_DIM,), dtype=jnp.float32)
    return {"x": x, "fc": fc, "bias": bias}


def reference(x, fc, bias):
    # x = x + offsets (broadcast over batch)
    idx = x + jnp.asarray(OFFSETS)[None, :]
    # embedding lookup: fc(x) -> [B, n_fields, output_dim]
    emb = jnp.take(fc, idx, axis=0)
    # sum over fields, add bias
    return jnp.sum(emb, axis=1) + bias

if __name__ == "__main__":
    import jax
    _d = setup_inputs()
    print(jax.jit(kernel)(*tuple(_d.values())))

</pallas_src>

<mosaic_0001>
#map = affine_map<(d0, d1) -> (0)>
module attributes {stable_mosaic.version = 14 : i64} {
  func.func @_body(%arg0: i32, %arg1: i32, %arg2: memref<425984xi32, #tpu.memory_space<hbm>>, %arg3: memref<1040000xf32, #tpu.memory_space<hbm>>, %arg4: memref<16xf32, #tpu.memory_space<hbm>>, %arg5: memref<16384xf32, #tpu.memory_space<hbm>>, %arg6: memref<13312xi32, #tpu.memory_space<vmem>>, %arg7: memref<104x128xi32, #tpu.memory_space<vmem>>, %arg8: memref<104x128xf32, #tpu.memory_space<vmem>>, %arg9: memref<512xf32, #tpu.memory_space<vmem>>, %arg10: memref<16xf32, #tpu.memory_space<vmem>>, %arg11: memref<!tpu.dma_semaphore, #tpu.memory_space<semaphore_mem>>) attributes {dimension_semantics = [#tpu.dimension_semantics<core_parallel>, #tpu.dimension_semantics<subcore_parallel>], iteration_bounds = array<i64: 2, 16>, scalar_prefetch = 0 : i64, scratch_operands = 6 : i64, tpu.core_type = #tpu.core_type<sc_vector_subcore>, window_params = [{transform_indices = #map}, {transform_indices = #map}, {transform_indices = #map}, {transform_indices = #map}]} {
    %mul3A = arith.constant 2 : i32
    %mul3A_0 = arith.muli %arg1, %mul3A : i32
    %add3A = arith.addi %mul3A_0, %arg0 : i32
    %mul3A_1 = arith.constant 512 : i32
    %mul3A_2 = arith.muli %add3A, %mul3A_1 : i32
    %mul3A_3 = arith.constant 13312 : i32
    %mul3A_4 = arith.muli %add3A, %mul3A_3 : i32
    "tpu.region"() ({
      %run_scoped3A = tpu.sem_alloc : memref<!tpu.dma_semaphore, #tpu.memory_space<semaphore_mem>>
      %dma_start3A = tpu.memref_slice %arg2[%mul3A_4] : memref<425984xi32, #tpu.memory_space<hbm>> -> memref<13312xi32, #tpu.memory_space<hbm>>
      %dma_start3A_29 = tpu.memref_slice %arg2[%mul3A_4] : memref<425984xi32, #tpu.memory_space<hbm>> -> memref<13312xi32, #tpu.memory_space<hbm>>
      tpu.enqueue_dma source(%dma_start3A_29 : memref<13312xi32, #tpu.memory_space<hbm>>) target(%arg6 : memref<13312xi32, #tpu.memory_space<vmem>>) target_semaphore(%run_scoped3A : memref<!tpu.dma_semaphore, #tpu.memory_space<semaphore_mem>>)
      %dma_wait3A = tpu.memref_slice %arg2[%mul3A_4] : memref<425984xi32, #tpu.memory_space<hbm>> -> memref<13312xi32, #tpu.memory_space<hbm>>
      %dma_wait3A_30 = tpu.memref_slice %arg2[%mul3A_4] : memref<425984xi32, #tpu.memory_space<hbm>> -> memref<13312xi32, #tpu.memory_space<hbm>>
      tpu.wait_dma2 semaphore(%run_scoped3A : memref<!tpu.dma_semaphore, #tpu.memory_space<semaphore_mem>>) src(%dma_wait3A_30 : memref<13312xi32, #tpu.memory_space<hbm>>) dst(%arg6 : memref<13312xi32, #tpu.memory_space<vmem>>)
      tpu.yield
    }) : () -> ()
    "tpu.region"() ({
      %run_scoped3A = tpu.sem_alloc : memref<!tpu.dma_semaphore, #tpu.memory_space<semaphore_mem>>
      tpu.enqueue_dma source(%arg4 : memref<16xf32, #tpu.memory_space<hbm>>) target(%arg10 : memref<16xf32, #tpu.memory_space<vmem>>) target_semaphore(%run_scoped3A : memref<!tpu.dma_semaphore, #tpu.memory_space<semaphore_mem>>)
      tpu.wait_dma2 semaphore(%run_scoped3A : memref<!tpu.dma_semaphore, #tpu.memory_space<semaphore_mem>>) src(%arg4 : memref<16xf32, #tpu.memory_space<hbm>>) dst(%arg10 : memref<16xf32, #tpu.memory_space<vmem>>)
      tpu.yield
    }) : () -> ()
    %iota3A = tpu.iota {dimensions = array<i32: 0>} : vector<16xi32>
    %scan3A = arith.constant 0 : i32
    %scan3A_5 = arith.constant 0 : i32
    %scan3A_6 = arith.constant 104 : i32
    %scan3A_7 = arith.addi %scan3A_5, %scan3A_6 : i32
    %scan3A_8 = arith.constant 1 : i32
    scf.for %scan3A_29 = %scan3A_5 to %scan3A_7 step %scan3A_8  : i32 {
      %jit3A = arith.constant 4 : i32
      %div3A = arith.divsi %scan3A_29, %jit3A : i32
      %sign3A = arith.constant 0 : i32
      %sign3A_30 = arith.cmpi sgt, %scan3A_29, %sign3A : i32
      %sign3A_31 = arith.extui %sign3A_30 : i1 to i32
      %sign3A_32 = arith.constant 0 : i32
      %sign3A_33 = arith.cmpi slt, %scan3A_29, %sign3A_32 : i32
      %sign3A_34 = arith.extui %sign3A_33 : i1 to i32
      %sign3A_35 = arith.subi %sign3A_31, %sign3A_34 : i32
      %sign3A_36 = arith.constant 0 : i32
      %sign3A_37 = arith.cmpi sgt, %jit3A, %sign3A_36 : i32
      %sign3A_38 = arith.extui %sign3A_37 : i1 to i32
      %sign3A_39 = arith.constant 0 : i32
      %sign3A_40 = arith.cmpi slt, %jit3A, %sign3A_39 : i32
      %sign3A_41 = arith.extui %sign3A_40 : i1 to i32
      %sign3A_42 = arith.subi %sign3A_38, %sign3A_41 : i32
      %ne3A = arith.cmpi ne, %sign3A_35, %sign3A_42 : i32
      %rem3A = arith.remsi %scan3A_29, %jit3A : i32
      %ne3A_43 = arith.constant 0 : i32
      %ne3A_44 = arith.cmpi ne, %rem3A, %ne3A_43 : i32
      %and3A = arith.andi %ne3A, %ne3A_44 : i1
      %sub3A = arith.constant 1 : i32
      %sub3A_45 = arith.subi %div3A, %sub3A : i32
      %select_n3A = arith.select %and3A, %sub3A_45, %div3A : i32
      %jit3A_46 = arith.constant 4 : i32
      %eq3A = arith.constant 0 : i32
      %eq3A_47 = arith.cmpi eq, %jit3A_46, %eq3A : i32
      %jit3A_48 = arith.constant 1 : i32
      %select_n3A_49 = arith.select %eq3A_47, %jit3A_48, %jit3A_46 : i32
      %rem3A_50 = arith.remsi %scan3A_29, %select_n3A_49 : i32
      %ne3A_51 = arith.constant 0 : i32
      %ne3A_52 = arith.cmpi ne, %rem3A_50, %ne3A_51 : i32
      %lt3A = arith.constant 0 : i32
      %lt3A_53 = arith.cmpi slt, %rem3A_50, %lt3A : i32
      %lt3A_54 = arith.constant 0 : i32
      %lt3A_55 = arith.cmpi slt, %select_n3A_49, %lt3A_54 : i32
      %ne3A_56 = arith.xori %lt3A_53, %lt3A_55 : i1
      %and3A_57 = arith.andi %ne3A_56, %ne3A_52 : i1
      %add3A_58 = arith.addi %rem3A_50, %select_n3A_49 : i32
      %select_n3A_59 = arith.select %and3A_57, %add3A_58, %rem3A_50 : i32
      %mul3A_60 = arith.constant 40000 : i32
      %mul3A_61 = arith.muli %select_n3A, %mul3A_60 : i32
      %mul3A_62 = arith.constant 128 : i32
      %mul3A_63 = arith.muli %select_n3A_59, %mul3A_62 : i32
      %add3A_64 = arith.constant 0 : i32
      %add3A_65 = arith.addi %mul3A_63, %add3A_64 : i32
      %add3A_66 = vector.broadcast %add3A_65 : i32 to vector<16xi32>
      %add3A_67 = arith.addi %add3A_66, %iota3A : vector<16xi32>
      %mul3A_68 = arith.constant 26 : i32
      %mul3A_69 = vector.broadcast %mul3A_68 : i32 to vector<16xi32>
      %mul3A_70 = arith.muli %add3A_67, %mul3A_69 : vector<16xi32>
      %add3A_71 = vector.broadcast %select_n3A : i32 to vector<16xi32>
      %add3A_72 = arith.addi %mul3A_70, %add3A_71 : vector<16xi32>
      %gather3A = tpu.vector_load_idx %arg6[%add3A_72] : memref<13312xi32, #tpu.memory_space<vmem>>[vector<16xi32>], vector<16xi32>,
      %add3A_73 = vector.broadcast %mul3A_61 : i32 to vector<16xi32>
      %add3A_74 = arith.addi %gather3A, %add3A_73 : vector<16xi32>
      %swap3A = arith.index_cast %scan3A_29 : i32 to index
      %swap3A_75 = arith.constant 0 : index
      %swap3A_76 = tpu.vector_load %arg7[%swap3A, %swap3A_75] {strides = array<i32>} : memref<104x128xi32, #tpu.memory_space<vmem>>, vector<16xi32>,
      tpu.vector_store %arg7[%swap3A, %swap3A_75], %add3A_74 {strides = array<i32>} : memref<104x128xi32, #tpu.memory_space<vmem>>, vector<16xi32>,
      %mul3A_77 = arith.constant 128 : i32
      %mul3A_78 = arith.muli %select_n3A_59, %mul3A_77 : i32
      %add3A_79 = arith.constant 16 : i32
      %add3A_80 = arith.addi %mul3A_78, %add3A_79 : i32
      %add3A_81 = vector.broadcast %add3A_80 : i32 to vector<16xi32>
      %add3A_82 = arith.addi %add3A_81, %iota3A : vector<16xi32>
      %mul3A_83 = arith.constant 26 : i32
      %mul3A_84 = vector.broadcast %mul3A_83 : i32 to vector<16xi32>
      %mul3A_85 = arith.muli %add3A_82, %mul3A_84 : vector<16xi32>
      %add3A_86 = vector.broadcast %select_n3A : i32 to vector<16xi32>
      %add3A_87 = arith.addi %mul3A_85, %add3A_86 : vector<16xi32>
      %gather3A_88 = tpu.vector_load_idx %arg6[%add3A_87] : memref<13312xi32, #tpu.memory_space<vmem>>[vector<16xi32>], vector<16xi32>,
      %add3A_89 = vector.broadcast %mul3A_61 : i32 to vector<16xi32>
      %add3A_90 = arith.addi %gather3A_88, %add3A_89 : vector<16xi32>
      %swap3A_91 = arith.index_cast %scan3A_29 : i32 to index
      %swap3A_92 = arith.constant 16 : index
      %swap3A_93 = tpu.vector_load %arg7[%swap3A_91, %swap3A_92] {strides = array<i32>} : memref<104x128xi32, #tpu.memory_space<vmem>>, vector<16xi32>,
      tpu.vector_store %arg7[%swap3A_91, %swap3A_92], %add3A_90 {strides = array<i32>} : memref<104x128xi32, #tpu.memory_space<vmem>>, vector<16xi32>,
      %mul3A_94 = arith.constant 128 : i32
      %mul3A_95 = arith.muli %select_n3A_59, %mul3A_94 : i32
      %add3A_96 = arith.constant 32 : i32
      %add3A_97 = arith.addi %mul3A_95, %add3A_96 : i32
      %add3A_98 = vector.broadcast %add3A_97 : i32 to vector<16xi32>
      %add3A_99 = arith.addi %add3A_98, %iota3A : vector<16xi32>
      %mul3A_100 = arith.constant 26 : i32
      %mul3A_101 = vector.broadcast %mul3A_100 : i32 to vector<16xi32>
      %mul3A_102 = arith.muli %add3A_99, %mul3A_101 : vector<16xi32>
      %add3A_103 = vector.broadcast %select_n3A : i32 to vector<16xi32>
      %add3A_104 = arith.addi %mul3A_102, %add3A_103 : vector<16xi32>
      %gather3A_105 = tpu.vector_load_idx %arg6[%add3A_104] : memref<13312xi32, #tpu.memory_space<vmem>>[vector<16xi32>], vector<16xi32>,
      %add3A_106 = vector.broadcast %mul3A_61 : i32 to vector<16xi32>
      %add3A_107 = arith.addi %gather3A_105, %add3A_106 : vector<16xi32>
      %swap3A_108 = arith.index_cast %scan3A_29 : i32 to index
      %swap3A_109 = arith.constant 32 : index
      %swap3A_110 = tpu.vector_load %arg7[%swap3A_108, %swap3A_109] {strides = array<i32>} : memref<104x128xi32, #tpu.memory_space<vmem>>, vector<16xi32>,
      tpu.vector_store %arg7[%swap3A_108, %swap3A_109], %add3A_107 {strides = array<i32>} : memref<104x128xi32, #tpu.memory_space<vmem>>, vector<16xi32>,
      %mul3A_111 = arith.constant 128 : i32
      %mul3A_112 = arith.muli %select_n3A_59, %mul3A_111 : i32
      %add3A_113 = arith.constant 48 : i32
      %add3A_114 = arith.addi %mul3A_112, %add3A_113 : i32
      %add3A_115 = vector.broadcast %add3A_114 : i32 to vector<16xi32>
      %add3A_116 = arith.addi %add3A_115, %iota3A : vector<16xi32>
      %mul3A_117 = arith.constant 26 : i32
      %mul3A_118 = vector.broadcast %mul3A_117 : i32 to vector<16xi32>
      %mul3A_119 = arith.muli %add3A_116, %mul3A_118 : vector<16xi32>
      %add3A_120 = vector.broadcast %select_n3A : i32 to vector<16xi32>
      %add3A_121 = arith.addi %mul3A_119, %add3A_120 : vector<16xi32>
      %gather3A_122 = tpu.vector_load_idx %arg6[%add3A_121] : memref<13312xi32, #tpu.memory_space<vmem>>[vector<16xi32>], vector<16xi32>,
      %add3A_123 = vector.broadcast %mul3A_61 : i32 to vector<16xi32>
      %add3A_124 = arith.addi %gather3A_122, %add3A_123 : vector<16xi32>
      %swap3A_125 = arith.index_cast %scan3A_29 : i32 to index
      %swap3A_126 = arith.constant 48 : index
      %swap3A_127 = tpu.vector_load %arg7[%swap3A_125, %swap3A_126] {strides = array<i32>} : memref<104x128xi32, #tpu.memory_space<vmem>>, vector<16xi32>,
      tpu.vector_store %arg7[%swap3A_125, %swap3A_126], %add3A_124 {strides = array<i32>} : memref<104x128xi32, #tpu.memory_space<vmem>>, vector<16xi32>,
      %mul3A_128 = arith.constant 128 : i32
      %mul3A_129 = arith.muli %select_n3A_59, %mul3A_128 : i32
      %add3A_130 = arith.constant 64 : i32
      %add3A_131 = arith.addi %mul3A_129, %add3A_130 : i32
      %add3A_132 = vector.broadcast %add3A_131 : i32 to vector<16xi32>
      %add3A_133 = arith.addi %add3A_132, %iota3A : vector<16xi32>
      %mul3A_134 = arith.constant 26 : i32
      %mul3A_135 = vector.broadcast %mul3A_134 : i32 to vector<16xi32>
      %mul3A_136 = arith.muli %add3A_133, %mul3A_135 : vector<16xi32>
      %add3A_137 = vector.broadcast %select_n3A : i32 to vector<16xi32>
      %add3A_138 = arith.addi %mul3A_136, %add3A_137 : vector<16xi32>
      %gather3A_139 = tpu.vector_load_idx %arg6[%add3A_138] : memref<13312xi32, #tpu.memory_space<vmem>>[vector<16xi32>], vector<16xi32>,
      %add3A_140 = vector.broadcast %mul3A_61 : i32 to vector<16xi32>
      %add3A_141 = arith.addi %gather3A_139, %add3A_140 : vector<16xi32>
      %swap3A_142 = arith.index_cast %scan3A_29 : i32 to index
      %swap3A_143 = arith.constant 64 : index
      %swap3A_144 = tpu.vector_load %arg7[%swap3A_142, %swap3A_143] {strides = array<i32>} : memref<104x128xi32, #tpu.memory_space<vmem>>, vector<16xi32>,
      tpu.vector_store %arg7[%swap3A_142, %swap3A_143], %add3A_141 {strides = array<i32>} : memref<104x128xi32, #tpu.memory_space<vmem>>, vector<16xi32>,
      %mul3A_145 = arith.constant 128 : i32
      %mul3A_146 = arith.muli %select_n3A_59, %mul3A_145 : i32
      %add3A_147 = arith.constant 80 : i32
      %add3A_148 = arith.addi %mul3A_146, %add3A_147 : i32
      %add3A_149 = vector.broadcast %add3A_148 : i32 to vector<16xi32>
      %add3A_150 = arith.addi %add3A_149, %iota3A : vector<16xi32>
      %mul3A_151 = arith.constant 26 : i32
      %mul3A_152 = vector.broadcast %mul3A_151 : i32 to vector<16xi32>
      %mul3A_153 = arith.muli %add3A_150, %mul3A_152 : vector<16xi32>
      %add3A_154 = vector.broadcast %select_n3A : i32 to vector<16xi32>
      %add3A_155 = arith.addi %mul3A_153, %add3A_154 : vector<16xi32>
      %gather3A_156 = tpu.vector_load_idx %arg6[%add3A_155] : memref<13312xi32, #tpu.memory_space<vmem>>[vector<16xi32>], vector<16xi32>,
      %add3A_157 = vector.broadcast %mul3A_61 : i32 to vector<16xi32>
      %add3A_158 = arith.addi %gather3A_156, %add3A_157 : vector<16xi32>
      %swap3A_159 = arith.index_cast %scan3A_29 : i32 to index
      %swap3A_160 = arith.constant 80 : index
      %swap3A_161 = tpu.vector_load %arg7[%swap3A_159, %swap3A_160] {strides = array<i32>} : memref<104x128xi32, #tpu.memory_space<vmem>>, vector<16xi32>,
      tpu.vector_store %arg7[%swap3A_159, %swap3A_160], %add3A_158 {strides = array<i32>} : memref<104x128xi32, #tpu.memory_space<vmem>>, vector<16xi32>,
      %mul3A_162 = arith.constant 128 : i32
      %mul3A_163 = arith.muli %select_n3A_59, %mul3A_162 : i32
      %add3A_164 = arith.constant 96 : i32
      %add3A_165 = arith.addi %mul3A_163, %add3A_164 : i32
      %add3A_166 = vector.broadcast %add3A_165 : i32 to vector<16xi32>
      %add3A_167 = arith.addi %add3A_166, %iota3A : vector<16xi32>
      %mul3A_168 = arith.constant 26 : i32
      %mul3A_169 = vector.broadcast %mul3A_168 : i32 to vector<16xi32>
      %mul3A_170 = arith.muli %add3A_167, %mul3A_169 : vector<16xi32>
      %add3A_171 = vector.broadcast %select_n3A : i32 to vector<16xi32>
      %add3A_172 = arith.addi %mul3A_170, %add3A_171 : vector<16xi32>
      %gather3A_173 = tpu.vector_load_idx %arg6[%add3A_172] : memref<13312xi32, #tpu.memory_space<vmem>>[vector<16xi32>], vector<16xi32>,
      %add3A_174 = vector.broadcast %mul3A_61 : i32 to vector<16xi32>
      %add3A_175 = arith.addi %gather3A_173, %add3A_174 : vector<16xi32>
      %swap3A_176 = arith.index_cast %scan3A_29 : i32 to index
      %swap3A_177 = arith.constant 96 : index
      %swap3A_178 = tpu.vector_load %arg7[%swap3A_176, %swap3A_177] {strides = array<i32>} : memref<104x128xi32, #tpu.memory_space<vmem>>, vector<16xi32>,
      tpu.vector_store %arg7[%swap3A_176, %swap3A_177], %add3A_175 {strides = array<i32>} : memref<104x128xi32, #tpu.memory_space<vmem>>, vector<16xi32>,
      %mul3A_179 = arith.constant 128 : i32
      %mul3A_180 = arith.muli %select_n3A_59, %mul3A_179 : i32
      %add3A_181 = arith.constant 112 : i32
      %add3A_182 = arith.addi %mul3A_180, %add3A_181 : i32
      %add3A_183 = vector.broadcast %add3A_182 : i32 to vector<16xi32>
      %add3A_184 = arith.addi %add3A_183, %iota3A : vector<16xi32>
      %mul3A_185 = arith.constant 26 : i32
      %mul3A_186 = vector.broadcast %mul3A_185 : i32 to vector<16xi32>
      %mul3A_187 = arith.muli %add3A_184, %mul3A_186 : vector<16xi32>
      %add3A_188 = vector.broadcast %select_n3A : i32 to vector<16xi32>
      %add3A_189 = arith.addi %mul3A_187, %add3A_188 : vector<16xi32>
      %gather3A_190 = tpu.vector_load_idx %arg6[%add3A_189] : memref<13312xi32, #tpu.memory_space<vmem>>[vector<16xi32>], vector<16xi32>,
      %add3A_191 = vector.broadcast %mul3A_61 : i32 to vector<16xi32>
      %add3A_192 = arith.addi %gather3A_190, %add3A_191 : vector<16xi32>
      %swap3A_193 = arith.index_cast %scan3A_29 : i32 to index
      %swap3A_194 = arith.constant 112 : index
      %swap3A_195 = tpu.vector_load %arg7[%swap3A_193, %swap3A_194] {strides = array<i32>} : memref<104x128xi32, #tpu.memory_space<vmem>>, vector<16xi32>,
      tpu.vector_store %arg7[%swap3A_193, %swap3A_194], %add3A_192 {strides = array<i32>} : memref<104x128xi32, #tpu.memory_space<vmem>>, vector<16xi32>,
    }
    %scan3A_9 = arith.constant 104 : i32
    %scan3A_10 = arith.constant 0 : i32
    %scan3A_11 = arith.constant 0 : i32
    %scan3A_12 = arith.constant 104 : i32
    %scan3A_13 = arith.addi %scan3A_11, %scan3A_12 : i32
    %scan3A_14 = arith.constant 1 : i32
    scf.for %scan3A_29 = %scan3A_11 to %scan3A_13 step %scan3A_14  : i32 {
      %dma_start3A = arith.constant 0 : i32
      %dma_start3A_30 = tpu.memref_slice %arg8[%scan3A_29, %dma_start3A] : memref<104x128xf32, #tpu.memory_space<vmem>> -> memref<1x128xf32, #tpu.memory_space<vmem>>
      %dma_start3A_31 = tpu.memref_squeeze %dma_start3A_30 : memref<1x128xf32, #tpu.memory_space<vmem>> -> memref<128xf32, #tpu.memory_space<vmem>>
      %dma_start3A_32 = arith.constant 0 : i32
      %dma_start3A_33 = tpu.memref_slice %arg7[%scan3A_29, %dma_start3A_32] : memref<104x128xi32, #tpu.memory_space<vmem>> -> memref<1x128xi32, #tpu.memory_space<vmem>>
      %dma_start3A_34 = tpu.memref_squeeze %dma_start3A_33 : memref<1x128xi32, #tpu.memory_space<vmem>> -> memref<128xi32, #tpu.memory_space<vmem>>
      %dma_start3A_35 = arith.constant 0 : i32
      %dma_start3A_36 = tpu.memref_slice %arg3[%dma_start3A_35] : memref<1040000xf32, #tpu.memory_space<hbm>> -> memref<1040000xf32, #tpu.memory_space<hbm>>
      tpu.enqueue_indirect_dma source(%dma_start3A_36 : memref<1040000xf32, #tpu.memory_space<hbm>>) target(%dma_start3A_31 : memref<128xf32, #tpu.memory_space<vmem>>) offsets(%dma_start3A_34 : memref<128xi32, #tpu.memory_space<vmem>>) semaphore(%arg11 : memref<!tpu.dma_semaphore, #tpu.memory_space<semaphore_mem>>)
    }
    %scan3A_15 = arith.constant 104 : i32
    %scan3A_16 = arith.constant 0 : i32
    %scan3A_17 = arith.constant 0 : i32
    %scan3A_18 = arith.constant 104 : i32
    %scan3A_19 = arith.addi %scan3A_17, %scan3A_18 : i32
    %scan3A_20 = arith.constant 1 : i32
    scf.for %scan3A_29 = %scan3A_17 to %scan3A_19 step %scan3A_20  : i32 {
      %dma_wait3A = arith.constant 0 : i32
      %dma_wait3A_30 = tpu.memref_slice %arg8[%scan3A_29, %dma_wait3A] : memref<104x128xf32, #tpu.memory_space<vmem>> -> memref<1x128xf32, #tpu.memory_space<vmem>>
      %dma_wait3A_31 = tpu.memref_squeeze %dma_wait3A_30 : memref<1x128xf32, #tpu.memory_space<vmem>> -> memref<128xf32, #tpu.memory_space<vmem>>
      %dma_wait3A_32 = arith.constant 0 : i32
      %dma_wait3A_33 = tpu.memref_slice %arg7[%scan3A_29, %dma_wait3A_32] : memref<104x128xi32, #tpu.memory_space<vmem>> -> memref<1x128xi32, #tpu.memory_space<vmem>>
      %dma_wait3A_34 = tpu.memref_squeeze %dma_wait3A_33 : memref<1x128xi32, #tpu.memory_space<vmem>> -> memref<128xi32, #tpu.memory_space<vmem>>
      %dma_wait3A_35 = arith.constant 0 : i32
      %dma_wait3A_36 = tpu.memref_slice %arg3[%dma_wait3A_35] : memref<1040000xf32, #tpu.memory_space<hbm>> -> memref<1040000xf32, #tpu.memory_space<hbm>>
      tpu.wait_indirect_dma semaphore(%arg11 : memref<!tpu.dma_semaphore, #tpu.memory_space<semaphore_mem>>) src(%dma_wait3A_36 : memref<1040000xf32, #tpu.memory_space<hbm>>) dst(%dma_wait3A_31 : memref<128xf32, #tpu.memory_space<vmem>>)
    }
    %scan3A_21 = arith.constant 104 : i32
    %get3A = arith.constant 0 : index
    %get3A_22 = tpu.vector_load %arg10[%get3A] {strides = array<i32>} : memref<16xf32, #tpu.memory_space<vmem>>, vector<16xf32>,
    %scan3A_23 = arith.constant 0 : i32
    %scan3A_24 = arith.constant 0 : i32
    %scan3A_25 = arith.constant 32 : i32
    %scan3A_26 = arith.addi %scan3A_24, %scan3A_25 : i32
    %scan3A_27 = arith.constant 1 : i32
    scf.for %scan3A_29 = %scan3A_24 to %scan3A_26 step %scan3A_27  : i32 {
      %jit3A = arith.constant 8 : i32
      %div3A = arith.divsi %scan3A_29, %jit3A : i32
      %sign3A = arith.constant 0 : i32
      %sign3A_30 = arith.cmpi sgt, %scan3A_29, %sign3A : i32
      %sign3A_31 = arith.extui %sign3A_30 : i1 to i32
      %sign3A_32 = arith.constant 0 : i32
      %sign3A_33 = arith.cmpi slt, %scan3A_29, %sign3A_32 : i32
      %sign3A_34 = arith.extui %sign3A_33 : i1 to i32
      %sign3A_35 = arith.subi %sign3A_31, %sign3A_34 : i32
      %sign3A_36 = arith.constant 0 : i32
      %sign3A_37 = arith.cmpi sgt, %jit3A, %sign3A_36 : i32
      %sign3A_38 = arith.extui %sign3A_37 : i1 to i32
      %sign3A_39 = arith.constant 0 : i32
      %sign3A_40 = arith.cmpi slt, %jit3A, %sign3A_39 : i32
      %sign3A_41 = arith.extui %sign3A_40 : i1 to i32
      %sign3A_42 = arith.subi %sign3A_38, %sign3A_41 : i32
      %ne3A = arith.cmpi ne, %sign3A_35, %sign3A_42 : i32
      %rem3A = arith.remsi %scan3A_29, %jit3A : i32
      %ne3A_43 = arith.constant 0 : i32
      %ne3A_44 = arith.cmpi ne, %rem3A, %ne3A_43 : i32
      %and3A = arith.andi %ne3A, %ne3A_44 : i1
      %sub3A = arith.constant 1 : i32
      %sub3A_45 = arith.subi %div3A, %sub3A : i32
      %select_n3A = arith.select %and3A, %sub3A_45, %div3A : i32
      %jit3A_46 = arith.constant 8 : i32
      %eq3A = arith.constant 0 : i32
      %eq3A_47 = arith.cmpi eq, %jit3A_46, %eq3A : i32
      %jit3A_48 = arith.constant 1 : i32
      %select_n3A_49 = arith.select %eq3A_47, %jit3A_48, %jit3A_46 : i32
      %rem3A_50 = arith.remsi %scan3A_29, %select_n3A_49 : i32
      %ne3A_51 = arith.constant 0 : i32
      %ne3A_52 = arith.cmpi ne, %rem3A_50, %ne3A_51 : i32
      %lt3A = arith.constant 0 : i32
      %lt3A_53 = arith.cmpi slt, %rem3A_50, %lt3A : i32
      %lt3A_54 = arith.constant 0 : i32
      %lt3A_55 = arith.cmpi slt, %select_n3A_49, %lt3A_54 : i32
      %ne3A_56 = arith.xori %lt3A_53, %lt3A_55 : i1
      %and3A_57 = arith.andi %ne3A_56, %ne3A_52 : i1
      %add3A_58 = arith.addi %rem3A_50, %select_n3A_49 : i32
      %select_n3A_59 = arith.select %and3A_57, %add3A_58, %rem3A_50 : i32
      %mul3A_60 = arith.constant 16 : i32
      %mul3A_61 = arith.muli %select_n3A_59, %mul3A_60 : i32
      %add3A_62 = arith.constant 0 : i32
      %add3A_63 = arith.addi %add3A_62, %select_n3A : i32
      %get3A_64 = arith.index_cast %add3A_63 : i32 to index
      %get3A_65 = arith.index_cast %mul3A_61 : i32 to index
      %get3A_66 = tpu.vector_load %arg8[%get3A_64, %get3A_65] {strides = array<i32>} : memref<104x128xf32, #tpu.memory_space<vmem>>, vector<16xf32>,
      %add3A_67 = arith.addf %get3A_22, %get3A_66 : vector<16xf32>
      %add3A_68 = arith.constant 4 : i32
      %add3A_69 = arith.addi %add3A_68, %select_n3A : i32
      %get3A_70 = arith.index_cast %add3A_69 : i32 to index
      %get3A_71 = arith.index_cast %mul3A_61 : i32 to index
      %get3A_72 = tpu.vector_load %arg8[%get3A_70, %get3A_71] {strides = array<i32>} : memref<104x128xf32, #tpu.memory_space<vmem>>, vector<16xf32>,
      %add3A_73 = arith.addf %add3A_67, %get3A_72 : vector<16xf32>
      %add3A_74 = arith.constant 8 : i32
      %add3A_75 = arith.addi %add3A_74, %select_n3A : i32
      %get3A_76 = arith.index_cast %add3A_75 : i32 to index
      %get3A_77 = arith.index_cast %mul3A_61 : i32 to index
      %get3A_78 = tpu.vector_load %arg8[%get3A_76, %get3A_77] {strides = array<i32>} : memref<104x128xf32, #tpu.memory_space<vmem>>, vector<16xf32>,
      %add3A_79 = arith.addf %add3A_73, %get3A_78 : vector<16xf32>
      %add3A_80 = arith.constant 12 : i32
      %add3A_81 = arith.addi %add3A_80, %select_n3A : i32
      %get3A_82 = arith.index_cast %add3A_81 : i32 to index
      %get3A_83 = arith.index_cast %mul3A_61 : i32 to index
      %get3A_84 = tpu.vector_load %arg8[%get3A_82, %get3A_83] {strides = array<i32>} : memref<104x128xf32, #tpu.memory_space<vmem>>, vector<16xf32>,
      %add3A_85 = arith.addf %add3A_79, %get3A_84 : vector<16xf32>
      %add3A_86 = arith.constant 16 : i32
      %add3A_87 = arith.addi %add3A_86, %select_n3A : i32
      %get3A_88 = arith.index_cast %add3A_87 : i32 to index
      %get3A_89 = arith.index_cast %mul3A_61 : i32 to index
      %get3A_90 = tpu.vector_load %arg8[%get3A_88, %get3A_89] {strides = array<i32>} : memref<104x128xf32, #tpu.memory_space<vmem>>, vector<16xf32>,
      %add3A_91 = arith.addf %add3A_85, %get3A_90 : vector<16xf32>
      %add3A_92 = arith.constant 20 : i32
      %add3A_93 = arith.addi %add3A_92, %select_n3A : i32
      %get3A_94 = arith.index_cast %add3A_93 : i32 to index
      %get3A_95 = arith.index_cast %mul3A_61 : i32 to index
      %get3A_96 = tpu.vector_load %arg8[%get3A_94, %get3A_95] {strides = array<i32>} : memref<104x128xf32, #tpu.memory_space<vmem>>, vector<16xf32>,
      %add3A_97 = arith.addf %add3A_91, %get3A_96 : vector<16xf32>
      %add3A_98 = arith.constant 24 : i32
      %add3A_99 = arith.addi %add3A_98, %select_n3A : i32
      %get3A_100 = arith.index_cast %add3A_99 : i32 to index
      %get3A_101 = arith.index_cast %mul3A_61 : i32 to index
      %get3A_102 = tpu.vector_load %arg8[%get3A_100, %get3A_101] {strides = array<i32>} : memref<104x128xf32, #tpu.memory_space<vmem>>, vector<16xf32>,
      %add3A_103 = arith.addf %add3A_97, %get3A_102 : vector<16xf32>
      %add3A_104 = arith.constant 28 : i32
      %add3A_105 = arith.addi %add3A_104, %select_n3A : i32
      %get3A_106 = arith.index_cast %add3A_105 : i32 to index
      %get3A_107 = arith.index_cast %mul3A_61 : i32 to index
      %get3A_108 = tpu.vector_load %arg8[%get3A_106, %get3A_107] {strides = array<i32>} : memref<104x128xf32, #tpu.memory_space<vmem>>, vector<16xf32>,
      %add3A_109 = arith.addf %add3A_103, %get3A_108 : vector<16xf32>
      %add3A_110 = arith.constant 32 : i32
      %add3A_111 = arith.addi %add3A_110, %select_n3A : i32
      %get3A_112 = arith.index_cast %add3A_111 : i32 to index
      %get3A_113 = arith.index_cast %mul3A_61 : i32 to index
      %get3A_114 = tpu.vector_load %arg8[%get3A_112, %get3A_113] {strides = array<i32>} : memref<104x128xf32, #tpu.memory_space<vmem>>, vector<16xf32>,
      %add3A_115 = arith.addf %add3A_109, %get3A_114 : vector<16xf32>
      %add3A_116 = arith.constant 36 : i32
      %add3A_117 = arith.addi %add3A_116, %select_n3A : i32
      %get3A_118 = arith.index_cast %add3A_117 : i32 to index
      %get3A_119 = arith.index_cast %mul3A_61 : i32 to index
      %get3A_120 = tpu.vector_load %arg8[%get3A_118, %get3A_119] {strides = array<i32>} : memref<104x128xf32, #tpu.memory_space<vmem>>, vector<16xf32>,
      %add3A_121 = arith.addf %add3A_115, %get3A_120 : vector<16xf32>
      %add3A_122 = arith.constant 40 : i32
      %add3A_123 = arith.addi %add3A_122, %select_n3A : i32
      %get3A_124 = arith.index_cast %add3A_123 : i32 to index
      %get3A_125 = arith.index_cast %mul3A_61 : i32 to index
      %get3A_126 = tpu.vector_load %arg8[%get3A_124, %get3A_125] {strides = array<i32>} : memref<104x128xf32, #tpu.memory_space<vmem>>, vector<16xf32>,
      %add3A_127 = arith.addf %add3A_121, %get3A_126 : vector<16xf32>
      %add3A_128 = arith.constant 44 : i32
      %add3A_129 = arith.addi %add3A_128, %select_n3A : i32
      %get3A_130 = arith.index_cast %add3A_129 : i32 to index
      %get3A_131 = arith.index_cast %mul3A_61 : i32 to index
      %get3A_132 = tpu.vector_load %arg8[%get3A_130, %get3A_131] {strides = array<i32>} : memref<104x128xf32, #tpu.memory_space<vmem>>, vector<16xf32>,
      %add3A_133 = arith.addf %add3A_127, %get3A_132 : vector<16xf32>
      %add3A_134 = arith.constant 48 : i32
      %add3A_135 = arith.addi %add3A_134, %select_n3A : i32
      %get3A_136 = arith.index_cast %add3A_135 : i32 to index
      %get3A_137 = arith.index_cast %mul3A_61 : i32 to index
      %get3A_138 = tpu.vector_load %arg8[%get3A_136, %get3A_137] {strides = array<i32>} : memref<104x128xf32, #tpu.memory_space<vmem>>, vector<16xf32>,
      %add3A_139 = arith.addf %add3A_133, %get3A_138 : vector<16xf32>
      %add3A_140 = arith.constant 52 : i32
      %add3A_141 = arith.addi %add3A_140, %select_n3A : i32
      %get3A_142 = arith.index_cast %add3A_141 : i32 to index
      %get3A_143 = arith.index_cast %mul3A_61 : i32 to index
      %get3A_144 = tpu.vector_load %arg8[%get3A_142, %get3A_143] {strides = array<i32>} : memref<104x128xf32, #tpu.memory_space<vmem>>, vector<16xf32>,
      %add3A_145 = arith.addf %add3A_139, %get3A_144 : vector<16xf32>
      %add3A_146 = arith.constant 56 : i32
      %add3A_147 = arith.addi %add3A_146, %select_n3A : i32
      %get3A_148 = arith.index_cast %add3A_147 : i32 to index
      %get3A_149 = arith.index_cast %mul3A_61 : i32 to index
      %get3A_150 = tpu.vector_load %arg8[%get3A_148, %get3A_149] {strides = array<i32>} : memref<104x128xf32, #tpu.memory_space<vmem>>, vector<16xf32>,
      %add3A_151 = arith.addf %add3A_145, %get3A_150 : vector<16xf32>
      %add3A_152 = arith.constant 60 : i32
      %add3A_153 = arith.addi %add3A_152, %select_n3A : i32
      %get3A_154 = arith.index_cast %add3A_153 : i32 to index
      %get3A_155 = arith.index_cast %mul3A_61 : i32 to index
      %get3A_156 = tpu.vector_load %arg8[%get3A_154, %get3A_155] {strides = array<i32>} : memref<104x128xf32, #tpu.memory_space<vmem>>, vector<16xf32>,
      %add3A_157 = arith.addf %add3A_151, %get3A_156 : vector<16xf32>
      %add3A_158 = arith.constant 64 : i32
      %add3A_159 = arith.addi %add3A_158, %select_n3A : i32
      %get3A_160 = arith.index_cast %add3A_159 : i32 to index
      %get3A_161 = arith.index_cast %mul3A_61 : i32 to index
      %get3A_162 = tpu.vector_load %arg8[%get3A_160, %get3A_161] {strides = array<i32>} : memref<104x128xf32, #tpu.memory_space<vmem>>, vector<16xf32>,
      %add3A_163 = arith.addf %add3A_157, %get3A_162 : vector<16xf32>
      %add3A_164 = arith.constant 68 : i32
      %add3A_165 = arith.addi %add3A_164, %select_n3A : i32
      %get3A_166 = arith.index_cast %add3A_165 : i32 to index
      %get3A_167 = arith.index_cast %mul3A_61 : i32 to index
      %get3A_168 = tpu.vector_load %arg8[%get3A_166, %get3A_167] {strides = array<i32>} : memref<104x128xf32, #tpu.memory_space<vmem>>, vector<16xf32>,
      %add3A_169 = arith.addf %add3A_163, %get3A_168 : vector<16xf32>
      %add3A_170 = arith.constant 72 : i32
      %add3A_171 = arith.addi %add3A_170, %select_n3A : i32
      %get3A_172 = arith.index_cast %add3A_171 : i32 to index
      %get3A_173 = arith.index_cast %mul3A_61 : i32 to index
      %get3A_174 = tpu.vector_load %arg8[%get3A_172, %get3A_173] {strides = array<i32>} : memref<104x128xf32, #tpu.memory_space<vmem>>, vector<16xf32>,
      %add3A_175 = arith.addf %add3A_169, %get3A_174 : vector<16xf32>
      %add3A_176 = arith.constant 76 : i32
      %add3A_177 = arith.addi %add3A_176, %select_n3A : i32
      %get3A_178 = arith.index_cast %add3A_177 : i32 to index
      %get3A_179 = arith.index_cast %mul3A_61 : i32 to index
      %get3A_180 = tpu.vector_load %arg8[%get3A_178, %get3A_179] {strides = array<i32>} : memref<104x128xf32, #tpu.memory_space<vmem>>, vector<16xf32>,
      %add3A_181 = arith.addf %add3A_175, %get3A_180 : vector<16xf32>
      %add3A_182 = arith.constant 80 : i32
      %add3A_183 = arith.addi %add3A_182, %select_n3A : i32
      %get3A_184 = arith.index_cast %add3A_183 : i32 to index
      %get3A_185 = arith.index_cast %mul3A_61 : i32 to index
      %get3A_186 = tpu.vector_load %arg8[%get3A_184, %get3A_185] {strides = array<i32>} : memref<104x128xf32, #tpu.memory_space<vmem>>, vector<16xf32>,
      %add3A_187 = arith.addf %add3A_181, %get3A_186 : vector<16xf32>
      %add3A_188 = arith.constant 84 : i32
      %add3A_189 = arith.addi %add3A_188, %select_n3A : i32
      %get3A_190 = arith.index_cast %add3A_189 : i32 to index
      %get3A_191 = arith.index_cast %mul3A_61 : i32 to index
      %get3A_192 = tpu.vector_load %arg8[%get3A_190, %get3A_191] {strides = array<i32>} : memref<104x128xf32, #tpu.memory_space<vmem>>, vector<16xf32>,
      %add3A_193 = arith.addf %add3A_187, %get3A_192 : vector<16xf32>
      %add3A_194 = arith.constant 88 : i32
      %add3A_195 = arith.addi %add3A_194, %select_n3A : i32
      %get3A_196 = arith.index_cast %add3A_195 : i32 to index
      %get3A_197 = arith.index_cast %mul3A_61 : i32 to index
      %get3A_198 = tpu.vector_load %arg8[%get3A_196, %get3A_197] {strides = array<i32>} : memref<104x128xf32, #tpu.memory_space<vmem>>, vector<16xf32>,
      %add3A_199 = arith.addf %add3A_193, %get3A_198 : vector<16xf32>
      %add3A_200 = arith.constant 92 : i32
      %add3A_201 = arith.addi %add3A_200, %select_n3A : i32
      %get3A_202 = arith.index_cast %add3A_201 : i32 to index
      %get3A_203 = arith.index_cast %mul3A_61 : i32 to index
      %get3A_204 = tpu.vector_load %arg8[%get3A_202, %get3A_203] {strides = array<i32>} : memref<104x128xf32, #tpu.memory_space<vmem>>, vector<16xf32>,
      %add3A_205 = arith.addf %add3A_199, %get3A_204 : vector<16xf32>
      %add3A_206 = arith.constant 96 : i32
      %add3A_207 = arith.addi %add3A_206, %select_n3A : i32
      %get3A_208 = arith.index_cast %add3A_207 : i32 to index
      %get3A_209 = arith.index_cast %mul3A_61 : i32 to index
      %get3A_210 = tpu.vector_load %arg8[%get3A_208, %get3A_209] {strides = array<i32>} : memref<104x128xf32, #tpu.memory_space<vmem>>, vector<16xf32>,
      %add3A_211 = arith.addf %add3A_205, %get3A_210 : vector<16xf32>
      %add3A_212 = arith.constant 100 : i32
      %add3A_213 = arith.addi %add3A_212, %select_n3A : i32
      %get3A_214 = arith.index_cast %add3A_213 : i32 to index
      %get3A_215 = arith.index_cast %mul3A_61 : i32 to index
      %get3A_216 = tpu.vector_load %arg8[%get3A_214, %get3A_215] {strides = array<i32>} : memref<104x128xf32, #tpu.memory_space<vmem>>, vector<16xf32>,
      %add3A_217 = arith.addf %add3A_211, %get3A_216 : vector<16xf32>
      %mul3A_218 = arith.constant 16 : i32
      %mul3A_219 = arith.muli %scan3A_29, %mul3A_218 : i32
      %swap3A = arith.index_cast %mul3A_219 : i32 to index
      %swap3A_220 = tpu.vector_load %arg9[%swap3A] {strides = array<i32>} : memref<512xf32, #tpu.memory_space<vmem>>, vector<16xf32>,
      tpu.vector_store %arg9[%swap3A], %add3A_217 {strides = array<i32>} : memref<512xf32, #tpu.memory_space<vmem>>, vector<16xf32>,
    }
    %scan3A_28 = arith.constant 32 : i32
    "tpu.region"() ({
      %run_scoped3A = tpu.sem_alloc : memref<!tpu.dma_semaphore, #tpu.memory_space<semaphore_mem>>
      %dma_start3A = tpu.memref_slice %arg5[%mul3A_2] : memref<16384xf32, #tpu.memory_space<hbm>> -> memref<512xf32, #tpu.memory_space<hbm>>
      %dma_start3A_29 = tpu.memref_slice %arg5[%mul3A_2] : memref<16384xf32, #tpu.memory_space<hbm>> -> memref<512xf32, #tpu.memory_space<hbm>>
      tpu.enqueue_dma source(%arg9 : memref<512xf32, #tpu.memory_space<vmem>>) target(%dma_start3A_29 : memref<512xf32, #tpu.memory_space<hbm>>) target_semaphore(%run_scoped3A : memref<!tpu.dma_semaphore, #tpu.memory_space<semaphore_mem>>)
      %dma_wait3A = tpu.memref_slice %arg5[%mul3A_2] : memref<16384xf32, #tpu.memory_space<hbm>> -> memref<512xf32, #tpu.memory_space<hbm>>
      %dma_wait3A_30 = tpu.memref_slice %arg5[%mul3A_2] : memref<16384xf32, #tpu.memory_space<hbm>> -> memref<512xf32, #tpu.memory_space<hbm>>
      tpu.wait_dma2 semaphore(%run_scoped3A : memref<!tpu.dma_semaphore, #tpu.memory_space<semaphore_mem>>) src(%arg9 : memref<512xf32, #tpu.memory_space<vmem>>) dst(%dma_wait3A_30 : memref<512xf32, #tpu.memory_space<hbm>>)
      tpu.yield
    }) : () -> ()
    return
  }
}

</mosaic_0001>

<sc_bundles>
// kernel: kernel.3.cloned.1.call-start
scs
__scs_entry_jumppad:
0x0: {  	(pc) =	sbr.rel $0x88, $3  }
0x1: {  	(tag) =	ssettag $0x0;
	lr =	simm.s32 $0x1  }
0x2: {  	[smem:$0x3F9E] =	sst lr;
	_ =	strace $0xD0000000  }
0x3: {  	_ = 	snop  }
0x4: {  	_ = 	snop  }
0x5: {  	_ = 	snop  }
0x6: {  	_ = 	snop  }
0x7: {  	_ = 	snop  }
__scs_overlays_trampoline_lowered:
0x8: {  	[smem:$0x3FAD] =	sst s0  }
0x9: {  	[smem:$0x3FAE] =	sst s1  }
0xa: {  	[smem:$0x3FAF] =	sst s2  }
0xb: {  	[smem:$0x3FB0] =	sst s3  }
0xc: {  	[smem:$0x3FB1] =	sst s4  }
0xd: {  	[smem:$0x3FB2] =	sst s5  }
0xe: {  	[smem:$0x3FB3] =	sst s6  }
0xf: {  	[smem:$0x3FB4] =	sst s7  }
0x10: {  	[smem:$0x3FB5] =	sst s8  }
0x11: {  	[smem:$0x3FB6] =	sst s9;
	s0 =	simm.s32 @!p0 $0x0  }
0x12: {  	s1 =	sld [smem:$0x3F9C];
	s0 =	simm.s32 @p0 $0x1  }
0x13: {  	[smem:$0x3FB7] =	sst s0;
	s0 =	simm.s32 @!p1 $0x0  }
0x14: {  	s2 =	sld [smem:$0x3F9B];
	s0 =	simm.s32 @p1 $0x1  }
0x15: {  	[smem:$0x3FB8] =	sst s0;
	s0 =	simm.s32 @!p2 $0x0  }
0x16: {  	s3 =	sld [smem:$0x3FDB];
	s0 =	simm.s32 @p2 $0x1  }
0x17: {  	s4 =	simm.s32 $0x1BF5;
	[smem:$0x3FBA] =	sst s0  }
0x18: {  	s0 =	sld [smem:$0x3F9D];
	_ =	swait.ge [sflag:s4], $0x0  }
0x19: {  	s7 =	sld [smem:$0x3F9E]  }
0x1a: {  	s8 =	sadd.s32 $0xFFFFE003, lr  }
0x1b: {  	s9 =	sadd.s32 $0xFFFFFEF7, lr;
	s5 =	simm.s32 $0xFFFFFFFF;
	p2 =	slt.u32 s8, $0xFFFFF086  }
0x1c: {  	p1 =	slt.u32 s9, $0xF7A;
	s5 =	simm.s32 @!p2 $0x0  }
0x1d: {  	s5 =	simm.s32 @p1 $0x1;
	p0 =	seq.s32 s7, s2  }
0x1e: {  	s7 =	smul.u32 @!p0 $0xF7A, s2;
	p2 =	seq.s32 @!p0 s5, $0x0  }
0x1f: {  	s9 =	smul.u32 $0xF7A, s1;
	s8 =	simm.s32 @!p0 $0x1BF5;
	p2 =	por !p2, p0  }
0x20: {  	[sflag:s8] =	ssyncset.s32 @!p0 $0xFFFFF086;
	s6 =	sadd.s32 @!p0 s3, s7;
	s7 =	simm.s32 @!p0 $0x108  }
0x21: {  	s3 =	sadd.s32 s3, s9;
	s6 =	sadd.s32 @!p0 $0x88, s6;
	s7 =	simm.s32 @p2 $0x1082  }
0x22: {  	[simem:s7], [sflag:s8] =	dma.local @!p0 [hbm:s6], $0xF7A  }
0x23: {  	s9 =	sor.u32 $0xD0000000, s2;
	s6 =	simm.s32 $0x108;
	_ =	swait.ge @!p0 [sflag:s8], $0x0  }
0x24: {  	s3 =	sadd.s32 $0x88, s3;
	s6 =	simm.s32 @!p1 $0x1082;
	[sflag:s4] =	ssyncset.s32 $0xFFFFF086  }
0x25: {  	[simem:s6], [sflag:s4] =	dma.local [hbm:s3], $0xF7A  }
0x26: {  	[smem:$0x3F9E] =	sst s1;
	(tag) =	ssettag s2;
	_ =	strace s9  }
0x27: {  	s1 =	sld [smem:$0x3FAE]  }
0x28: {  	s2 =	sld [smem:$0x3FAF]  }
0x29: {  	s4 =	sld [smem:$0x3FB1]  }
0x2a: {  	p0 =	seq.s32 s5, $0x0;
	s5 =	sld [smem:$0x3FB2]  }
0x2b: {  	s6 =	sld [smem:$0x3FB3]  }
0x2c: {  	s7 =	sld [smem:$0x3FB4]  }
0x2d: {  	s3 =	simm.s32 $0x108;
	s8 =	sld [smem:$0x3FB5]  }
0x2e: {  	s3 =	simm.s32 @!p0 $0x1082;
	s9 =	sld [smem:$0x3FB6]  }
0x2f: {  	lr =	sadd.s32 s0, s3;
	s0 =	sld [smem:$0x3FAD]  }
0x30: {  	s3 =	sld [smem:$0x3FB0]  }
0x31: {  	[smem:$0x3FB9] =	sst s10  }
0x32: {  	s10 =	sld [smem:$0x3FB7];
	_ =	sdelay $0x3  }
0x33: {  	p0 =	seq.s32 s10, $0x1;
	s10 =	sld [smem:$0x3FB9];
	_ =	sdelay $0x3  }
0x34: {  	[smem:$0x3FB9] =	sst s10  }
0x35: {  	s10 =	sld [smem:$0x3FB8];
	_ =	sdelay $0x3  }
0x36: {  	p1 =	seq.s32 s10, $0x1;
	s10 =	sld [smem:$0x3FB9];
	_ =	sdelay $0x3  }
0x37: {  	[smem:$0x3FB9] =	sst s10  }
0x38: {  	s10 =	sld [smem:$0x3FBA]  }
0x39: {  	_ = 	snop;
	(pc) =	sbr.ind lr, $3  }
0x3a: {  	_ = 	snop  }
0x3b: {  	_ = 	snop  }
0x3c: {  	p2 =	seq.s32 s10, $0x1;
	s10 =	sld [smem:$0x3FB9]  }
0x3d: {  	_ =	shalt  }
0x3e: {  	_ =	shalt  }
0x3f: {  	_ =	shalt  }
0x40: {  	_ =	shalt  }
0x41: {  	_ =	shalt  }
0x42: {  	_ =	shalt  }
0x43: {  	_ =	shalt  }
0x44: {  	_ =	shalt  }
0x45: {  	_ =	shalt  }
0x46: {  	_ =	shalt  }
0x47: {  	_ =	shalt  }
0x48: {  	_ =	shalt  }
0x49: {  	_ =	shalt  }
0x4a: {  	_ =	shalt  }
0x4b: {  	_ =	shalt  }
0x4c: {  	_ =	shalt  }
0x4d: {  	_ =	shalt  }
0x4e: {  	_ =	shalt  }
0x4f: {  	_ =	shalt  }
0x50: {  	_ =	shalt  }
0x51: {  	_ =	shalt  }
0x52: {  	_ =	shalt  }
0x53: {  	_ =	shalt  }
0x54: {  	_ =	shalt  }
0x55: {  	_ =	shalt  }
0x56: {  	_ =	shalt  }
0x57: {  	_ =	shalt  }
0x58: {  	_ =	shalt  }
0x59: {  	_ =	shalt  }
0x5a: {  	_ =	shalt  }
0x5b: {  	_ =	shalt  }
0x5c: {  	_ =	shalt  }
0x5d: {  	_ =	shalt  }
0x5e: {  	_ =	shalt  }
0x5f: {  	_ =	shalt  }
0x60: {  	_ =	shalt  }
0x61: {  	_ =	shalt  }
0x62: {  	_ =	shalt  }
0x63: {  	_ =	shalt  }
0x64: {  	_ =	shalt  }
0x65: {  	_ =	shalt  }
0x66: {  	_ =	shalt  }
0x67: {  	_ =	shalt  }
0x68: {  	_ =	shalt  }
0x69: {  	_ =	shalt  }
0x6a: {  	_ =	shalt  }
0x6b: {  	_ =	shalt  }
0x6c: {  	_ =	shalt  }
0x6d: {  	_ =	shalt  }
0x6e: {  	_ =	shalt  }
0x6f: {  	_ =	shalt  }
0x70: {  	_ =	shalt  }
0x71: {  	_ =	shalt  }
0x72: {  	_ =	shalt  }
0x73: {  	_ =	shalt  }
0x74: {  	_ =	shalt  }
0x75: {  	_ =	shalt  }
0x76: {  	_ =	shalt  }
0x77: {  	_ =	shalt  }
0x78: {  	_ =	shalt  }
0x79: {  	_ =	shalt  }
0x7a: {  	_ =	shalt  }
0x7b: {  	_ =	shalt  }
0x7c: {  	_ =	shalt  }
0x7d: {  	_ =	shalt  }
0x7e: {  	_ =	shalt  }
0x7f: {  	_ =	shalt  }
0x80: {  	_ =	shalt  }
0x81: {  	_ =	shalt  }
0x82: {  	_ =	shalt  }
0x83: {  	_ =	shalt  }
0x84: {  	_ =	shalt  }
0x85: {  	_ =	shalt  }
0x86: {  	_ =	shalt  }
0x87: {  	_ =	shalt  }
.Lfunc_end0:
.L_simem_size_0:
called_computation_lowered:
.L_overlay_start_0:
0x88: {  	s2 =	sld [smem:$0x3FD9]  }
0x89: {  	s3 =	sld [smem:$0x3FFE];
	_ =	sdelay $0x1  }
0x8a: {  	s1 =	srdreg.scid  }
0x8b: {  	s0 =	sand.u32 $0x1, s1  }
0x8c: {  	s17 =	sshll.u32 s0, $0xA;
	s2 =	sadd.s32 s3, s2  }
0x8d: {  	s2 =	sadd.s32 s2, s17  }
0x8e: {  	[smem:$0x3FC5] =	sst s2  }
0x8f: {  	_ = 	snop  }
0x90: {  	s2 =	sld [smem:$0x3FD0];
	(tm) =	ssettm $0x1  }
0x91: {  	s18 =	sld [smem:$0x3FFB];
	_ =	sdelay $0x3  }
0x92: {  	_ =	strace s18  }
0x93: {  	s3 =	sld [smem:$0x3FFC];
	_ =	sdelay $0x3  }
0x94: {  	_ =	strace s3  }
0x95: {  	s3 =	sld [smem:$0x3FFD];
	_ =	sdelay $0x3  }
0x96: {  	_ =	strace s3  }
0x97: {  	_ =	strace $0x8FFFFFFF  }
0x98: {  	s19 =	sld [smem:$0x3FDB];
	_ =	sdelay $0x1  }
0x99: {  	s4 =	simm.s32 $_scs_section_size  }
0x9a: {  	s5 =	simm.s32 $_size__tile_overlayer_lowered;
	s6 =	simm.s32 $_tile_overlayer_lowered  }
0x9b: {  	s22 =	simm.s32 $0x1BFF;
	s21 =	sshll.u32 s6, $0x1;
	s3 =	sadd.s32 s4, s19  }
0x9c: {  	s7 =	simm.s32 $0x0;
	s20 =	sshll.u32 s5, $0x1;
	s5 =	sadd.s32 s21, s3  }
0x9d: {  	[timem:s7], [sflag:s22] =	dma.local [hbm:s5], s20  }
0x9e: {  	_ =	swait.ge [sflag:s22], s20  }
0x9f: {  	s4 =	ssub.s32 $0x0, s20;
	[sflag:s22] =	ssyncset.done $0x0  }
0xa0: {  	[sflag:s22] =	ssyncadd.s32 s4;
	_ =	sdelay $0x1  }
0xa1: {  	s23 =	simm.s32 $0x1B8B  }
0xa2: {  	_ =	swait.ge [sflag:s23], $0x1  }
0xa3: {  	[sflag:s23] =	ssyncset.done $0x0  }
0xa4: {  	s25 =	simm.s32 $0x1B8E;
	s24 =	sld [smem:$0x3FFE];
	[sflag:s23] =	ssyncadd.s32 $0xFFFFFFFF  }
0xa5: {  	s26 =	simm.s32 $execute0_lowered;
	[smem:$0x3FD2] =	sst s25  }
0xa6: {  	s5 =	sshll.u32 s26, $0x1;
	_ =	strace $0x80000046;
	[dreg:$0x1] =	wrdreg $0xFFFFFFFF  }
0xa7: {  	s28 =	simm.s32 $_size_execute0_lowered;
	s3 =	sadd.s32 s3, s5;
	[dreg:$0x0] =	wrdreg $0x0  }
0xa8: {  	s5 =	sshll.u32 s28, $0x1;
	[dreg:$0x2] =	wrdreg s3  }
0xa9: {  	[dreg:$0x3] =	wrdreg s5  }
0xaa: {  	[dreg:$0x4] =	wrdreg $0xC0  }
0xab: {  	_ =	task [dreg:s7], $0x5FFFF  }
0xac: {  	[dreg:$0x1] =	wrdreg $0xFFFFFFFF  }
0xad: {  	[dreg:$0x0] =	wrdreg $0x60  }
0xae: {  	[dreg:$0x2] =	wrdreg s24  }
0xaf: {  	[dreg:$0x3] =	wrdreg s2  }
0xb0: {  	[dreg:$0x4] =	wrdreg $0x9  }
0xb1: {  	_ =	task.clear_ibuf [dreg:s7], $0x5FFFF;
	_ =	strace $0x90000046  }
0xb2: {  	s29 =	simm.s32 $0x9;
	_ =	strace $0x80000048  }
0xb3: {  	_ =	swait.ge [sflag:s29], $0x1  }
0xb4: {  	[sflag:s29] =	ssyncadd.s32 $0xFFFFFFFF  }
0xb5: {  	_ =	strace $0x90000048  }
0xb6: {  	_ =	sfence  }
0xb7: {  	s30 =	sld [smem:$0x0];
	_ =	sdelay $0x2  }
0xb8: {  	s31 =	sshll.u32 s1, $0xD;
	s1 =	sshrl.u32 s1, $0x2  }
0xb9: {  	s3 =	sand.u32 $0x4000, s31;
	s1 =	sadd.s32 s1, s30  }
0xba: {  	s0 =	sor.u32 s3, s0;
	s1 =	sshll.u32 s1, $0x11  }
0xbb: {  	s0 =	sor.u32 s1, s0  }
0xbc: {  	s0 =	sadd.s32 $0x8F2B, s0  }
0xbd: {  	[sflag:s0] =	ssyncadd.remote.s32 $0x1  }
0xbe: {  	_ =	sfence.sel $0xFFFF  }
0xbf: {  	[dreg:$0x0] =	wrdreg $0xFFFFFFFF;
	(pc) =	sbr.abs _section_cstart, $3  }
0xc0: {  	[dreg:$0x1] =	wrdreg $0xFFFFFFFF  }
0xc1: {  	_ =	task.clear_ibuf [dreg:s7], $0x2FFFF;
	_ =	strace $0x9FFFFFFF  }
0xc2: {  	(tm) =	ssettm $0x7FFFFFFF  }
0xc3: {  	_ =	shalt  }
tec
execute0_lowered:
.L_overlay_start_1:
0x0: {  	(tag) =	ssettag $0x1  }
0x1: {  	s4 =	rddreg [dreg:$0x0];
	s1 =	srdreg.scid  }
0x2: {  	s0 =	stileid.u32;
	s6 =	rddreg [dreg:$0x1]  }
0x3: {  	s2 =	simm.s32 $0x0;
	s10 =	simm.s32 $0x80;
	s11 =	simm.s32 $0x1  }
0x4: {  	s12 =	simm.s32 $0x9C00;
	s3 =	sand.u32 $0x1, s1;
	s1 =	rddreg [dreg:$0x2]  }
0x5: {  	s13 =	simm.s32 $0x0;
	s5 =	sshll.u32 s0, $0x1;
	[smem:$0x7FF] =	sst s2  }
0x6: {  	s5 =	sor.u32 s3, s5;
	_ =	strace $0x80000047;
	s8 =	ssub.s32 $0x2, s3  }
0x7: {  	s7 =	smul.u32 $0x680, s5;
	s9 =	sshrl.u32 s8, $0x1;
	s31 =	sshll.u32 s5, $0x6  }
0x8: {  	s3 =	sadd.s32 $0xD200, s4;
	s8 =	ssub.s32 s8, s9;
	s6 =	sadd.s32 s6, s31  }
0x9: {  	v0 =	vlaneseq.u32;
	s9 =	simm.s32 $0x9E00;
	s7 =	sadd.s32 s7, s4;
	s4 =	sadd.s32 $0x2CE00, s4  }
0xa: {  	v0 =	vmul.u32 $0x1A, v0;
	s5 =	sadd.s32 $0x200, s7;
	s7 =	smax.u32 s8, $0x1;
	s8 =	simm.s32 $0x2  }
.LBB2_1:
0xb: {  	s17 =	sand.u32 $0x180, s2  }
0xc: {  	v1 =	vmov s17  }
0xd: {  	v1 =	vmul.u32 $0x1A, v1  }
0xe: {  	s15 =	simm.s32 $0x0  }
0xf: {  	[tilespmem:s2], [sflag:$0x2] =	stream.linear.gather [hbm4b:s5+s2], $0x3400, $0x38;
	v1 =	vadd.s32 s15, v1;
	[tilespmem:$0x9E80] =	vst v63  }
0x10: {  	_ =	swait.ge [sflag:s8], $0x3400;
	v1 =	vbroadcast v1, $0x0  }
0x11: {  	[sflag:s8] =	ssyncset.done $0x0  }
0x12: {  	s14 =	sor.u32 $0x10, s17;
	[sflag:s8] =	ssyncadd.s32 $0xFFFFCC00;
	v1 =	vadd.s32 v0, v1  }
0x13: {  	v2 =	vmov s14;
	[tilespmem:s9], [sflag:$0x2] =	stream.linear.gather [hbm4b:s4+s2], $0x80, $0x38;
	[tilespmem:$0x9E80] =	vst v63  }
0x14: {  	v2 =	vmul.u32 $0x1A, v2;
	_ =	swait.ge [sflag:s8], $0x80  }
0x15: {  	[sflag:s8] =	ssyncset.done $0x0  }
0x16: {  	v2 =	vadd.s32 s15, v2;
	[sflag:s8] =	ssyncadd.s32 $0xFFFFFF80  }
0x17: {  	v2 =	vbroadcast v2, $0x0;
	v1 =	vld.idx.msk [tilespmem:v1+s2+$0x0], $0xffff;
	_ =	sdelay $0x1  }
0x18: {  	s28 =	sor.u32 $0x20, s17;
	v2 =	vadd.s32 v0, v2  }
0x19: {  	s16 =	smul.u32 $0x9C40, s15;
	v3 =	vmov s28  }
0x1a: {  	v3 =	vmul.u32 $0x1A, v3  }
0x1b: {  	s14 =	simm.s32 $0x3440;
	v1 =	vadd.s32 s16, v1  }
0x1c: {  	[tilespmem:s14+$0xFFFFFFC0] =	vst v1;
	v1 =	vadd.s32 s15, v3  }
0x1d: {  	v2 =	vld.idx.msk [tilespmem:v2+s2+$0x0], $0xffff;
	v1 =	vbroadcast v1, $0x0;
	_ =	sdelay $0x1  }
0x1e: {  	s18 =	sor.u32 $0x30, s17;
	v1 =	vadd.s32 v0, v1  }
0x1f: {  	v3 =	vmov s18  }
0x20: {  	v3 =	vmul.u32 $0x1A, v3  }
0x21: {  	v2 =	vadd.s32 s16, v2  }
0x22: {  	[tilespmem:s14+$0xFFFFFFD0] =	vst v2;
	v2 =	vadd.s32 s15, v3  }
0x23: {  	v1 =	vld.idx.msk [tilespmem:v1+s2+$0x0], $0xffff;
	v2 =	vbroadcast v2, $0x0;
	_ =	sdelay $0x1  }
0x24: {  	s29 =	sor.u32 $0x40, s17;
	v2 =	vadd.s32 v0, v2  }
0x25: {  	v3 =	vmov s29  }
0x26: {  	v3 =	vmul.u32 $0x1A, v3  }
0x27: {  	v1 =	vadd.s32 s16, v1  }
0x28: {  	[tilespmem:s14+$0xFFFFFFE0] =	vst v1;
	v1 =	vadd.s32 s15, v3  }
0x29: {  	v2 =	vld.idx.msk [tilespmem:v2+s2+$0x0], $0xffff;
	v1 =	vbroadcast v1, $0x0;
	_ =	sdelay $0x1  }
0x2a: {  	s30 =	sor.u32 $0x50, s17;
	v1 =	vadd.s32 v0, v1  }
0x2b: {  	v3 =	vmov s30  }
0x2c: {  	v3 =	vmul.u32 $0x1A, v3  }
0x2d: {  	v2 =	vadd.s32 s16, v2  }
0x2e: {  	[tilespmem:s14+$0xFFFFFFF0] =	vst v2;
	v2 =	vadd.s32 s15, v3  }
0x2f: {  	v1 =	vld.idx.msk [tilespmem:v1+s2+$0x0], $0xffff;
	v2 =	vbroadcast v2, $0x0;
	_ =	sdelay $0x1  }
0x30: {  	s31 =	sor.u32 $0x60, s17;
	v2 =	vadd.s32 v0, v2  }
0x31: {  	v3 =	vmov s31  }
0x32: {  	v3 =	vmul.u32 $0x1A, v3  }
0x33: {  	v1 =	vadd.s32 s16, v1  }
0x34: {  	[tilespmem:s14+$0x0] =	vst v1;
	v1 =	vadd.s32 s15, v3  }
0x35: {  	v2 =	vld.idx.msk [tilespmem:v2+s2+$0x0], $0xffff;
	v1 =	vbroadcast v1, $0x0;
	_ =	sdelay $0x1  }
0x36: {  	s17 =	sor.u32 $0x70, s17;
	v1 =	vadd.s32 v0, v1  }
0x37: {  	v3 =	vmov s17  }
0x38: {  	v3 =	vmul.u32 $0x1A, v3  }
0x39: {  	v2 =	vadd.s32 s16, v2  }
0x3a: {  	v3 =	vadd.s32 s15, v3;
	[tilespmem:s14+$0x10] =	vst v2  }
0x3b: {  	v3 =	vbroadcast v3, $0x0;
	v2 =	vld.idx.msk [tilespmem:v1+s2+$0x0], $0xffff;
	_ =	sdelay $0x1  }
0x3c: {  	s19 =	simm.s32 $0x80;
	s20 =	simm.s32 $0x2;
	v1 =	vadd.s32 v0, v3  }
0x3d: {  	s18 =	simm.s32 $0x1;
	s17 =	sand.u32 $0x180, s19;
	s15 =	simm.s32 $0x0  }
.LBB2_2:
0x3e: {  	p0 =	sne.s32 s20, $0x67;
	v3 =	vmov s17  }
0x3f: {  	v2 =	vadd.s32 s16, v2;
	v3 =	vmul.u32 $0x1A, v3  }
0x40: {  	s21 =	sshrl.u32 s18, $0x2;
	s18 =	smov.u32 s20;
	[tilespmem:s14+$0x20] =	vst v2  }
0x41: {  	v2 =	vadd.s32 s21, v3;
	v1 =	vld.idx.msk [tilespmem:v1+s15+$0x0], $0xffff  }
0x42: {  	v2 =	vbroadcast v2, $0x0;
	_ =	sdelay $0x1  }
0x43: {  	v2 =	vadd.s32 v0, v2  }
0x44: {  	s15 =	sor.u32 $0x10, s17  }
0x45: {  	v3 =	vmov s15  }
0x46: {  	v3 =	vmul.u32 $0x1A, v3;
	v1 =	vadd.s32 s16, v1  }
0x47: {  	s15 =	simm.s32 $0x0;
	[tilespmem:s14+$0x30] =	vst v1  }
0x48: {  	v1 =	vld.idx.msk [tilespmem:v2+s15+$0x0], $0xffff;
	v2 =	vadd.s32 s21, v3  }
0x49: {  	v2 =	vbroadcast v2, $0x0;
	_ =	sdelay $0x1  }
0x4a: {  	v2 =	vadd.s32 v0, v2  }
0x4b: {  	s22 =	sor.u32 $0x20, s17;
	s16 =	smul.u32 $0x9C40, s21  }
0x4c: {  	v3 =	vmov s22  }
0x4d: {  	s14 =	sadd.s32 $0x80, s14;
	v3 =	vmul.u32 $0x1A, v3;
	v1 =	vadd.s32 s16, v1  }
0x4e: {  	[tilespmem:s14+$0xFFFFFFC0] =	vst v1  }
0x4f: {  	v1 =	vld.idx.msk [tilespmem:v2+s15+$0x0], $0xffff;
	v2 =	vadd.s32 s21, v3  }
0x50: {  	v2 =	vbroadcast v2, $0x0;
	_ =	sdelay $0x1  }
0x51: {  	v2 =	vadd.s32 v0, v2  }
0x52: {  	s22 =	sor.u32 $0x30, s17  }
0x53: {  	v3 =	vmov s22  }
0x54: {  	v3 =	vmul.u32 $0x1A, v3;
	v1 =	vadd.s32 s16, v1  }
0x55: {  	[tilespmem:s14+$0xFFFFFFD0] =	vst v1  }
0x56: {  	v1 =	vld.idx.msk [tilespmem:v2+s15+$0x0], $0xffff;
	v2 =	vadd.s32 s21, v3  }
0x57: {  	v2 =	vbroadcast v2, $0x0;
	_ =	sdelay $0x1  }
0x58: {  	v2 =	vadd.s32 v0, v2  }
0x59: {  	s22 =	sor.u32 $0x40, s17  }
0x5a: {  	v3 =	vmov s22  }
0x5b: {  	v3 =	vmul.u32 $0x1A, v3;
	v1 =	vadd.s32 s16, v1  }
0x5c: {  	[tilespmem:s14+$0xFFFFFFE0] =	vst v1  }
0x5d: {  	v1 =	vld.idx.msk [tilespmem:v2+s15+$0x0], $0xffff;
	v2 =	vadd.s32 s21, v3  }
0x5e: {  	v2 =	vbroadcast v2, $0x0;
	_ =	sdelay $0x1  }
0x5f: {  	v2 =	vadd.s32 v0, v2  }
0x60: {  	s22 =	sor.u32 $0x50, s17  }
0x61: {  	v3 =	vmov s22  }
0x62: {  	v3 =	vmul.u32 $0x1A, v3;
	v1 =	vadd.s32 s16, v1  }
0x63: {  	[tilespmem:s14+$0xFFFFFFF0] =	vst v1  }
0x64: {  	v1 =	vld.idx.msk [tilespmem:v2+s15+$0x0], $0xffff;
	v2 =	vadd.s32 s21, v3  }
0x65: {  	v2 =	vbroadcast v2, $0x0;
	_ =	sdelay $0x1  }
0x66: {  	v2 =	vadd.s32 v0, v2  }
0x67: {  	s22 =	sor.u32 $0x60, s17  }
0x68: {  	v3 =	vmov s22  }
0x69: {  	v3 =	vmul.u32 $0x1A, v3;
	v1 =	vadd.s32 s16, v1  }
0x6a: {  	[tilespmem:s14+$0x0] =	vst v1  }
0x6b: {  	v1 =	vld.idx.msk [tilespmem:v2+s15+$0x0], $0xffff;
	v2 =	vadd.s32 s21, v3  }
0x6c: {  	v2 =	vbroadcast v2, $0x0;
	_ =	sdelay $0x1  }
0x6d: {  	v2 =	vadd.s32 v0, v2  }
0x6e: {  	s17 =	sor.u32 $0x70, s17  }
0x6f: {  	v3 =	vmov s17  }
0x70: {  	v3 =	vmul.u32 $0x1A, v3;
	v1 =	vadd.s32 s16, v1  }
0x71: {  	[tilespmem:s14+$0x10] =	vst v1  }
.Ltmp0:
0x72: {  	v1 =	vadd.s32 s21, v3;
	v2 =	vld.idx.msk [tilespmem:v2+s15+$0x0], $0xffff;
	(pc) =	sbr.rel @p0 .LBB2_2-.Ltmp0, $3  }
0x73: {  	v1 =	vbroadcast v1, $0x0;
	_ =	sdelay $0x1  }
0x74: {  	s19 =	sadd.s32 $0x80, s19;
	v1 =	vadd.s32 v0, v1  }
0x75: {  	s20 =	sadd.s32 $0x1, s20;
	s17 =	sand.u32 $0x180, s19  }
0x76: {  	v3 =	vmov s17  }
0x77: {  	v3 =	vmul.u32 $0x1A, v3  }
0x78: {  	v2 =	vadd.s32 s16, v2;
	s18 =	sshrl.u32 s18, $0x2  }
0x79: {  	[tilespmem:s14+$0x20] =	vst v2;
	v2 =	vadd.s32 s18, v3  }
0x7a: {  	v1 =	vld.idx.msk [tilespmem:v1+s15+$0x0], $0xffff;
	v2 =	vbroadcast v2, $0x0;
	_ =	sdelay $0x1  }
0x7b: {  	s19 =	sor.u32 $0x10, s17;
	v2 =	vadd.s32 v0, v2  }
0x7c: {  	v3 =	vmov s19  }
0x7d: {  	v3 =	vmul.u32 $0x1A, v3  }
0x7e: {  	v1 =	vadd.s32 s16, v1  }
0x7f: {  	[tilespmem:s14+$0x30] =	vst v1;
	v1 =	vadd.s32 s18, v3  }
0x80: {  	v1 =	vbroadcast v1, $0x0;
	v2 =	vld.idx.msk [tilespmem:v2+s15+$0x0], $0xffff;
	_ =	sdelay $0x1  }
0x81: {  	s23 =	sor.u32 $0x20, s17;
	v1 =	vadd.s32 v0, v1  }
0x82: {  	s24 =	smul.u32 $0x9C40, s18;
	v3 =	vmov s23  }
0x83: {  	v3 =	vmul.u32 $0x1A, v3  }
0x84: {  	s25 =	sadd.s32 $0x80, s14;
	v2 =	vadd.s32 s24, v2  }
0x85: {  	[tilespmem:s25+$0xFFFFFFC0] =	vst v2;
	v2 =	vadd.s32 s18, v3  }
0x86: {  	v1 =	vld.idx.msk [tilespmem:v1+s15+$0x0], $0xffff;
	v2 =	vbroadcast v2, $0x0;
	_ =	sdelay $0x1  }
0x87: {  	s26 =	sor.u32 $0x30, s17;
	v2 =	vadd.s32 v0, v2  }
0x88: {  	v3 =	vmov s26  }
0x89: {  	v3 =	vmul.u32 $0x1A, v3  }
0x8a: {  	v1 =	vadd.s32 s24, v1  }
0x8b: {  	[tilespmem:s25+$0xFFFFFFD0] =	vst v1;
	v1 =	vadd.s32 s18, v3  }
0x8c: {  	v2 =	vld.idx.msk [tilespmem:v2+s15+$0x0], $0xffff;
	v1 =	vbroadcast v1, $0x0;
	_ =	sdelay $0x1  }
0x8d: {  	s28 =	sor.u32 $0x40, s17;
	v1 =	vadd.s32 v0, v1  }
0x8e: {  	v3 =	vmov s28  }
0x8f: {  	v3 =	vmul.u32 $0x1A, v3  }
0x90: {  	v2 =	vadd.s32 s24, v2  }
0x91: {  	[tilespmem:s25+$0xFFFFFFE0] =	vst v2;
	v2 =	vadd.s32 s18, v3  }
0x92: {  	v1 =	vld.idx.msk [tilespmem:v1+s15+$0x0], $0xffff;
	v2 =	vbroadcast v2, $0x0;
	_ =	sdelay $0x1  }
0x93: {  	s29 =	sor.u32 $0x50, s17;
	v2 =	vadd.s32 v0, v2  }
0x94: {  	v3 =	vmov s29  }
0x95: {  	v3 =	vmul.u32 $0x1A, v3  }
0x96: {  	v1 =	vadd.s32 s24, v1  }
0x97: {  	[tilespmem:s25+$0xFFFFFFF0] =	vst v1;
	v1 =	vadd.s32 s18, v3  }
0x98: {  	v2 =	vld.idx.msk [tilespmem:v2+s15+$0x0], $0xffff;
	v1 =	vbroadcast v1, $0x0;
	_ =	sdelay $0x1  }
0x99: {  	s30 =	sor.u32 $0x60, s17;
	v1 =	vadd.s32 v0, v1  }
0x9a: {  	v3 =	vmov s30  }
0x9b: {  	v3 =	vmul.u32 $0x1A, v3  }
0x9c: {  	v2 =	vadd.s32 s24, v2  }
0x9d: {  	[tilespmem:s25+$0x0] =	vst v2;
	v2 =	vadd.s32 s18, v3  }
0x9e: {  	v1 =	vld.idx.msk [tilespmem:v1+s15+$0x0], $0xffff;
	v2 =	vbroadcast v2, $0x0;
	_ =	sdelay $0x1  }
0x9f: {  	s31 =	sor.u32 $0x70, s17;
	v2 =	vadd.s32 v0, v2  }
0xa0: {  	v3 =	vmov s31  }
0xa1: {  	v3 =	vmul.u32 $0x1A, v3  }
0xa2: {  	v1 =	vadd.s32 s24, v1  }
0xa3: {  	[tilespmem:s25+$0x10] =	vst v1;
	v1 =	vadd.s32 s18, v3  }
0xa4: {  	v2 =	vld.idx.msk [tilespmem:v2+s15+$0x0], $0xffff;
	v1 =	vbroadcast v1, $0x0;
	_ =	sdelay $0x1  }
0xa5: {  	v1 =	vadd.s32 v0, v1;
	_ =	sdelay $0x2  }
0xa6: {  	v2 =	vadd.s32 s24, v2  }
0xa7: {  	[tilespmem:s25+$0x20] =	vst v2  }
0xa8: {  	v1 =	vld.idx.msk [tilespmem:v1+s15+$0x0], $0xffff;
	_ =	sdelay $0x4  }
0xa9: {  	v1 =	vadd.s32 s24, v1  }
0xaa: {  	[tilespmem:s25+$0x30] =	vst v1  }
.LBB2_4:
0xab: {  	p0 =	sne.s32 s15, $0xCE00  }
.Ltmp1:
0xac: {  	_ = 	snop;
	(pc) =	sbr.rel @p0 .LBB2_4-.Ltmp1, $4  }
0xad: {  	_ = 	snop  }
0xae: {  	s14 =	sshra.s32 s15, $0x2  }
0xaf: {  	s15 =	sadd.s32 $0x200, s15;
	s16 =	sadd.s32 $0x6800, s14;
	s14 =	sadd.s32 $0x3400, s14  }
0xb0: {  	[tilespmem:s16], [sflag:$0x1] =	stream.indirect.gather [hbm4b:s3+s10], $0x1, s14, s10, $0xb8;
	[tilespmem:$0x9E80] =	vst v63  }
0xb1: {  	_ =	swait.ge [sflag:s11], $0x80  }
0xb2: {  	s14 =	simm.s32 $0x67;
	[sflag:s11] =	ssyncset.done $0x0  }
.LBB2_6:
0xb3: {  	p0 =	sne.s32 s14, $0x1;
	s14 =	sadd.s32 $0xFFFFFFFF, s14;
	[sflag:s11] =	ssyncadd.s32 $0xFFFFFF80  }
.Ltmp2:
0xb4: {  	(pc) =	sbr.rel @p0 .LBB2_6-.Ltmp2, $3  }
0xb5: {  	_ =	sdelay $0x1  }
0xb6: {  	_ =	swait.ge [sflag:s11], $0x80  }
0xb7: {  	[sflag:s11] =	ssyncset.done $0x0  }
0xb8: {  	s14 =	simm.s32 $0x0;
	s15 =	simm.s32 $0x0  }
0xb9: {  	[sflag:s11] =	ssyncadd.s32 $0xFFFFFF80;
	s14 =	sand.u32 $0x70, s14;
	s15 =	sand.u32 $0x180, s15  }
0xba: {  	v1 =	vld [tilespmem:$0x9E00];
	s14 =	sor.u32 s14, s15  }
0xbb: {  	v2 =	vld [tilespmem:s14+$0x6800];
	_ =	sdelay $0x1  }
0xbc: {  	v3 =	vld [tilespmem:s14+$0x6A00];
	_ =	sdelay $0x1  }
0xbd: {  	v4 =	vld [tilespmem:s14+$0x6C00]  }
0xbe: {  	v2 =	vadd.f32 v2, v1  }
0xbf: {  	v5 =	vld [tilespmem:s14+$0x6E00]  }
0xc0: {  	v2 =	vadd.f32 v3, v2  }
0xc1: {  	v3 =	vld [tilespmem:s14+$0x7000]  }
0xc2: {  	v2 =	vadd.f32 v4, v2  }
0xc3: {  	v50 =	vld [tilespmem:s14+$0x7200]  }
0xc4: {  	v2 =	vadd.f32 v5, v2  }
0xc5: {  	v51 =	vld [tilespmem:s14+$0x7400]  }
0xc6: {  	v2 =	vadd.f32 v3, v2  }
0xc7: {  	v3 =	vld [tilespmem:s14+$0x7600]  }
0xc8: {  	v2 =	vadd.f32 v50, v2  }
0xc9: {  	v52 =	vld [tilespmem:s14+$0x7800]  }
0xca: {  	v2 =	vadd.f32 v51, v2  }
0xcb: {  	v53 =	vld [tilespmem:s14+$0x7A00]  }
0xcc: {  	v2 =	vadd.f32 v3, v2  }
0xcd: {  	v3 =	vld [tilespmem:s14+$0x7C00]  }
0xce: {  	v2 =	vadd.f32 v52, v2  }
0xcf: {  	v54 =	vld [tilespmem:s14+$0x7E00]  }
0xd0: {  	v2 =	vadd.f32 v53, v2  }
0xd1: {  	v55 =	vld [tilespmem:s14+$0x8000]  }
0xd2: {  	v2 =	vadd.f32 v3, v2  }
0xd3: {  	v3 =	vld [tilespmem:s14+$0x8200]  }
0xd4: {  	v2 =	vadd.f32 v54, v2  }
0xd5: {  	v56 =	vld [tilespmem:s14+$0x8400]  }
0xd6: {  	v2 =	vadd.f32 v55, v2  }
0xd7: {  	v57 =	vld [tilespmem:s14+$0x8600]  }
0xd8: {  	v2 =	vadd.f32 v3, v2  }
0xd9: {  	v3 =	vld [tilespmem:s14+$0x8800]  }
0xda: {  	v2 =	vadd.f32 v56, v2  }
0xdb: {  	v58 =	vld [tilespmem:s14+$0x8A00]  }
0xdc: {  	v2 =	vadd.f32 v57, v2  }
0xdd: {  	v59 =	vld [tilespmem:s14+$0x8C00]  }
0xde: {  	v2 =	vadd.f32 v3, v2  }
0xdf: {  	v3 =	vld [tilespmem:s14+$0x8E00]  }
0xe0: {  	v2 =	vadd.f32 v58, v2  }
0xe1: {  	v60 =	vld [tilespmem:s14+$0x9000]  }
0xe2: {  	v2 =	vadd.f32 v59, v2  }
0xe3: {  	v61 =	vld [tilespmem:s14+$0x9200]  }
0xe4: {  	v2 =	vadd.f32 v3, v2  }
0xe5: {  	v3 =	vld [tilespmem:s14+$0x9400]  }
0xe6: {  	v2 =	vadd.f32 v60, v2  }
0xe7: {  	v62 =	vld [tilespmem:s14+$0x9600]  }
0xe8: {  	v2 =	vadd.f32 v61, v2  }
0xe9: {  	v63 =	vld [tilespmem:s14+$0x9800]  }
0xea: {  	v2 =	vadd.f32 v3, v2  }
0xeb: {  	v3 =	vld [tilespmem:s14+$0x9A00]  }
0xec: {  	v2 =	vadd.f32 v62, v2;
	_ =	sdelay $0x1  }
0xed: {  	v2 =	vadd.f32 v63, v2  }
0xee: {  	s18 =	simm.s32 $0x10;
	s16 =	simm.s32 $0x80  }
0xef: {  	s17 =	simm.s32 $0x0;
	s15 =	simm.s32 $0x10;
	s14 =	simm.s32 $0x40;
	v2 =	vadd.f32 v3, v2  }
.LBB2_8:
0xf0: {  	p0 =	sne.s32 s16, $0x7C0;
	s19 =	sand.u32 $0x70, s15;
	s18 =	sand.u32 $0x180, s18  }
0xf1: {  	s18 =	sor.u32 s19, s18;
	[tilespmem:s17+$0x9C00] =	vst v2;
	s17 =	smov.u32 s14;
	s14 =	smov.u32 s16  }
0xf2: {  	v2 =	vld [tilespmem:s18+$0x6800];
	_ =	sdelay $0x1  }
0xf3: {  	v3 =	vld [tilespmem:s18+$0x6A00];
	_ =	sdelay $0x1  }
0xf4: {  	v4 =	vld [tilespmem:s18+$0x6C00]  }
0xf5: {  	v2 =	vadd.f32 v2, v1  }
0xf6: {  	v5 =	vld [tilespmem:s18+$0x6E00]  }
0xf7: {  	v2 =	vadd.f32 v3, v2  }
0xf8: {  	v3 =	vld [tilespmem:s18+$0x7000]  }
0xf9: {  	v2 =	vadd.f32 v4, v2  }
0xfa: {  	v4 =	vld [tilespmem:s18+$0x7200]  }
0xfb: {  	v2 =	vadd.f32 v5, v2  }
0xfc: {  	v5 =	vld [tilespmem:s18+$0x7400]  }
0xfd: {  	v2 =	vadd.f32 v3, v2  }
0xfe: {  	v3 =	vld [tilespmem:s18+$0x7600]  }
0xff: {  	v2 =	vadd.f32 v4, v2  }
0x100: {  	v4 =	vld [tilespmem:s18+$0x7800]  }
0x101: {  	v2 =	vadd.f32 v5, v2  }
0x102: {  	v5 =	vld [tilespmem:s18+$0x7A00]  }
0x103: {  	v2 =	vadd.f32 v3, v2  }
0x104: {  	v3 =	vld [tilespmem:s18+$0x7C00]  }
0x105: {  	v2 =	vadd.f32 v4, v2  }
0x106: {  	v4 =	vld [tilespmem:s18+$0x7E00]  }
0x107: {  	v2 =	vadd.f32 v5, v2  }
0x108: {  	v5 =	vld [tilespmem:s18+$0x8000]  }
0x109: {  	v2 =	vadd.f32 v3, v2  }
0x10a: {  	v3 =	vld [tilespmem:s18+$0x8200]  }
0x10b: {  	v2 =	vadd.f32 v4, v2  }
0x10c: {  	v4 =	vld [tilespmem:s18+$0x8400]  }
0x10d: {  	v2 =	vadd.f32 v5, v2  }
0x10e: {  	v5 =	vld [tilespmem:s18+$0x8600]  }
0x10f: {  	v2 =	vadd.f32 v3, v2  }
0x110: {  	v3 =	vld [tilespmem:s18+$0x8800]  }
0x111: {  	v2 =	vadd.f32 v4, v2  }
0x112: {  	v4 =	vld [tilespmem:s18+$0x8A00]  }
0x113: {  	v2 =	vadd.f32 v5, v2  }
0x114: {  	v5 =	vld [tilespmem:s18+$0x8C00]  }
0x115: {  	v2 =	vadd.f32 v3, v2  }
0x116: {  	v3 =	vld [tilespmem:s18+$0x8E00]  }
0x117: {  	v2 =	vadd.f32 v4, v2  }
0x118: {  	v4 =	vld [tilespmem:s18+$0x9000]  }
0x119: {  	v2 =	vadd.f32 v5, v2  }
0x11a: {  	v5 =	vld [tilespmem:s18+$0x9200]  }
0x11b: {  	v2 =	vadd.f32 v3, v2  }
0x11c: {  	v3 =	vld [tilespmem:s18+$0x9400]  }
0x11d: {  	v2 =	vadd.f32 v4, v2  }
0x11e: {  	v4 =	vld [tilespmem:s18+$0x9600]  }
0x11f: {  	v2 =	vadd.f32 v5, v2  }
0x120: {  	v5 =	vld [tilespmem:s18+$0x9800]  }
0x121: {  	v2 =	vadd.f32 v3, v2  }
0x122: {  	v3 =	vld [tilespmem:s18+$0x9A00]  }
.Ltmp3:
0x123: {  	v2 =	vadd.f32 v4, v2;
	(pc) =	sbr.rel @p0 .LBB2_8-.Ltmp3, $4  }
0x124: {  	_ = 	snop  }
0x125: {  	v2 =	vadd.f32 v5, v2  }
0x126: {  	s15 =	sadd.s32 $0x10, s15  }
0x127: {  	s16 =	sadd.s32 $0x40, s16;
	s17 =	sshra.s32 s17, $0x2;
	s18 =	sshrl.u32 s14, $0x2;
	v2 =	vadd.f32 v3, v2  }
0x128: {  	s15 =	sand.u32 $0x70, s15;
	s16 =	sand.u32 $0x180, s18  }
0x129: {  	s15 =	sor.u32 s15, s16;
	[tilespmem:s17+$0x9C00] =	vst v2  }
0x12a: {  	v2 =	vld [tilespmem:s15+$0x6800];
	_ =	sdelay $0x1  }
0x12b: {  	v3 =	vld [tilespmem:s15+$0x6A00];
	_ =	sdelay $0x1  }
0x12c: {  	v4 =	vld [tilespmem:s15+$0x6C00]  }
0x12d: {  	v1 =	vadd.f32 v2, v1  }
0x12e: {  	v2 =	vld [tilespmem:s15+$0x6E00]  }
0x12f: {  	v1 =	vadd.f32 v3, v1  }
0x130: {  	v3 =	vld [tilespmem:s15+$0x7000]  }
0x131: {  	v1 =	vadd.f32 v4, v1  }
0x132: {  	v57 =	vld [tilespmem:s15+$0x7200]  }
0x133: {  	v1 =	vadd.f32 v2, v1  }
0x134: {  	v2 =	vld [tilespmem:s15+$0x7400]  }
0x135: {  	v1 =	vadd.f32 v3, v1  }
0x136: {  	v3 =	vld [tilespmem:s15+$0x7600]  }
0x137: {  	v1 =	vadd.f32 v57, v1  }
0x138: {  	v58 =	vld [tilespmem:s15+$0x7800]  }
0x139: {  	v1 =	vadd.f32 v2, v1  }
0x13a: {  	v2 =	vld [tilespmem:s15+$0x7A00]  }
0x13b: {  	v1 =	vadd.f32 v3, v1  }
0x13c: {  	v3 =	vld [tilespmem:s15+$0x7C00]  }
0x13d: {  	v1 =	vadd.f32 v58, v1  }
0x13e: {  	v59 =	vld [tilespmem:s15+$0x7E00]  }
0x13f: {  	v1 =	vadd.f32 v2, v1  }
0x140: {  	v2 =	vld [tilespmem:s15+$0x8000]  }
0x141: {  	v1 =	vadd.f32 v3, v1  }
0x142: {  	v3 =	vld [tilespmem:s15+$0x8200]  }
0x143: {  	v1 =	vadd.f32 v59, v1  }
0x144: {  	v60 =	vld [tilespmem:s15+$0x8400]  }
0x145: {  	v1 =	vadd.f32 v2, v1  }
0x146: {  	v2 =	vld [tilespmem:s15+$0x8600]  }
0x147: {  	v1 =	vadd.f32 v3, v1  }
0x148: {  	v3 =	vld [tilespmem:s15+$0x8800]  }
0x149: {  	v1 =	vadd.f32 v60, v1  }
0x14a: {  	v61 =	vld [tilespmem:s15+$0x8A00]  }
0x14b: {  	v1 =	vadd.f32 v2, v1  }
0x14c: {  	v2 =	vld [tilespmem:s15+$0x8C00]  }
0x14d: {  	v1 =	vadd.f32 v3, v1  }
0x14e: {  	v3 =	vld [tilespmem:s15+$0x8E00]  }
0x14f: {  	v1 =	vadd.f32 v61, v1  }
0x150: {  	v62 =	vld [tilespmem:s15+$0x9000]  }
0x151: {  	v1 =	vadd.f32 v2, v1  }
0x152: {  	v2 =	vld [tilespmem:s15+$0x9200]  }
0x153: {  	v1 =	vadd.f32 v3, v1  }
0x154: {  	v3 =	vld [tilespmem:s15+$0x9400]  }
0x155: {  	v1 =	vadd.f32 v62, v1  }
0x156: {  	v63 =	vld [tilespmem:s15+$0x9600]  }
0x157: {  	v1 =	vadd.f32 v2, v1  }
0x158: {  	v2 =	vld [tilespmem:s15+$0x9800]  }
0x159: {  	v1 =	vadd.f32 v3, v1  }
0x15a: {  	v3 =	vld [tilespmem:s15+$0x9A00]  }
0x15b: {  	v1 =	vadd.f32 v63, v1;
	_ =	sdelay $0x1  }
0x15c: {  	v1 =	vadd.f32 v2, v1;
	_ =	sdelay $0x1  }
0x15d: {  	s13 =	sadd.s32 $0x1, s13;
	v1 =	vadd.f32 v3, v1  }
0x15e: {  	s14 =	sshra.s32 s14, $0x2;
	p0 =	sne.s32 s13, s7  }
.Ltmp4:
0x15f: {  	[tilespmem:s14+$0x9C00] =	vst v1;
	(pc) =	sbr.rel @p0 .LBB2_1-.Ltmp4, $4  }
0x160: {  	[hbm4b:s6+s2] =	stream.linear.scatter [tilespmem:s12], [sflag:$0x2], $0x200, $0x38;
	[tilespmem:$0x9E80] =	vst v63  }
0x161: {  	_ =	swait.ge [sflag:s8], $0x200  }
0x162: {  	[sflag:s8] =	ssyncset.done $0x0  }
0x163: {  	[sflag:s8] =	ssyncadd.s32 $0xFFFFFE00  }
0x164: {  	_ =	sfence.sel $0x180000  }
0x165: {  	[bflag:$0x0] =	sbarrier.arrive $0xFFFF  }
0x166: {  	p0 =	sne.s32 s0, $0x0;
	_ =	strace $0x90000047  }
0x167: {  	s0 =	sadd.s32 @!p0 $0x100000, s1;
	[bflag:$0x2] =	sbarrier.arrive $0xFFFF  }
0x168: {  	[sflag:s0] =	ssyncadd.tile.s32 @!p0 $0x1;
	_ =	shalt  }
.Lfunc_end2:
_tile_overlayer_lowered:
.L_overlay_start_2:
0x169: {  	(tag) =	ssettag $0x2  }
0x16a: {  	s0 =	rddreg [dreg:$0x0];
	s2 =	stileid.u32  }
0x16b: {  	s1 =	rddreg [dreg:$0x1];
	p0 =	sne.s32 s2, $0x0  }
0x16c: {  	s3 =	rddreg [dreg:$0x2];
	[bflag:$0x3] =	sbarrier.arrive $0xFFFF;
	s2 =	simm.s32 @!p0 $0x1C02  }
0x16d: {  	[timem:s3], [sflag:s2] =	dma.local @!p0 [hbm:s0], s1  }
0x16e: {  	s0 =	simm.s32 @!p0 $0x2  }
0x16f: {  	_ =	swait.ge @!p0 [sflag:s0], s1  }
0x170: {  	s1 =	ssub.s32 @!p0 $0x0, s1;
	[sflag:s0] =	ssyncset.done @!p0 $0x0  }
0x171: {  	[sflag:s0] =	ssyncadd.s32 @!p0 s1  }
0x172: {  	[bflag:$0x3] =	sbarrier.arrive $0xFFFF  }
0x173: {  	_ =	shalt  }

</sc_bundles>
